<compile_context>
chip_gen: v7x
topology: tpu7x:2x2x1
jax: 0.10.2.dev20260603
libtpu: 0.0.44.dev20260713+nightly
codegen_flags: <defaults>
</compile_context>

<pallas_src>
import functools

import jax
import jax.numpy as jnp
from jax import lax
from jax.experimental import pallas as pl
from jax.experimental.pallas import tpu as pltpu
from jax.experimental.pallas import tpu_sc as plsc

F = 26
V = 100000
D = 16
B = 4096
FD = F * D

_NC, _NS = 2, 16
_H0 = 51200
_H1 = V - _H0


def _sc_gather_all(emb_t, lin2d, x_t):
    mesh = plsc.VectorSubcoreMesh(core_axis_name="c", subcore_axis_name="s")

    @functools.partial(
        pl.kernel,
        mesh=mesh,
        out_type=[
            jax.ShapeDtypeStruct((FD, B), jnp.float32),
            jax.ShapeDtypeStruct((F, B), jnp.float32),
        ],
        scratch_types=[
            pltpu.VMEM((V,), jnp.float32),
            pltpu.VMEM((B,), jnp.int32),
            pltpu.VMEM((B,), jnp.float32),
            pltpu.VMEM((B,), jnp.float32),
            pltpu.SemaphoreType.DMA,
            pltpu.SemaphoreType.DMA,
            pltpu.SemaphoreType.DMA,
        ],
        compiler_params=pltpu.CompilerParams(
            use_tc_tiling_on_sc=True, needs_layout_passes=False),
    )
    def k(emb_hbm, lin_hbm, x_hbm, xt_out, lt_out, plane_v, idx_v, sel_a,
          sel_b, semp, semw0, semw1):
        c = lax.axis_index("c")
        s = lax.axis_index("s")
        wid = s * _NC + c
        sel = (sel_a, sel_b)
        semw = (semw0, semw1)

        def select(sel_v):
            def body(i, _):
                v16 = idx_v[pl.ds(i * 16, 16)]
                sel_v[pl.ds(i * 16, 16)] = plsc.load_gather(plane_v, [v16])
                return 0

            lax.fori_loop(0, B // 16, body, 0)

        @pl.when(wid < F)
        def _():
            cpl = pltpu.async_copy(lin_hbm.at[wid], plane_v, semp)
            pltpu.sync_copy(x_hbm.at[wid], idx_v)
            cpl.wait()
            select(sel_a)
            pltpu.sync_copy(sel_a, lt_out.at[wid])

        wcs = [None, None]
        for kf in range(F // _NC):
            f = 2 * kf + c
            cp = pltpu.async_copy(emb_hbm.at[f, s], plane_v, semp)
            pltpu.sync_copy(x_hbm.at[f], idx_v)
            j = kf & 1
            if wcs[j] is not None:
                wcs[j].wait()
            cp.wait()
            select(sel[j])
            wcs[j] = pltpu.async_copy(sel[j], xt_out.at[f * D + s], semw[j])
        for wc in wcs:
            if wc is not None:
                wc.wait()

    return k(emb_t, lin2d, x_t)


_BT = 1024


def _tc_body(xt_ref, lt_ref, w1_ref, b1_ref, w2_ref, b2_ref, w3_ref, b3_ref,
             out_ref):
    xt = xt_ref[...]
    lt = lt_ref[...]
    linear_logit = jnp.sum(lt, axis=0)

    didx = lax.broadcasted_iota(jnp.int32, (D, FD), 0)
    ridx = lax.broadcasted_iota(jnp.int32, (D, FD), 1)
    R = (ridx % D == didx).astype(jnp.float32)
    dn = (((1,), (0,)), ((), ()))
    s1 = lax.dot_general(R, xt, dn)
    q = jnp.sum(xt * xt, axis=0)
    fm_logit = 0.5 * (jnp.sum(s1 * s1, axis=0) - q)

    dnT = (((0,), (0,)), ((), ()))
    pt = jnp.float32
    h = jnp.maximum(
        lax.dot_general(w1_ref[...].astype(jnp.bfloat16),
                        xt.astype(jnp.bfloat16), dnT,
                        preferred_element_type=pt) + b1_ref[...], 0.0)
    h = jnp.maximum(
        lax.dot_general(w2_ref[...].astype(jnp.bfloat16),
                        h.astype(jnp.bfloat16), dnT,
                        preferred_element_type=pt) + b2_ref[...], 0.0)
    deep = lax.dot_general(w3_ref[...].astype(jnp.bfloat16),
                           h.astype(jnp.bfloat16), dnT,
                           preferred_element_type=pt)[0, :] + b3_ref[0, 0]

    out_ref[...] = linear_logit + fm_logit + deep


def _tc_head(xt, lt, W1, b1, W2, b2, W3, b3):
    return pl.pallas_call(
        _tc_body,
        grid=(B // _BT,),
        in_specs=[
            pl.BlockSpec((FD, _BT), lambda i: (0, i)),
            pl.BlockSpec((F, _BT), lambda i: (0, i)),
            pl.BlockSpec((FD, 64), lambda i: (0, 0)),
            pl.BlockSpec((64, 1), lambda i: (0, 0)),
            pl.BlockSpec((64, 32), lambda i: (0, 0)),
            pl.BlockSpec((32, 1), lambda i: (0, 0)),
            pl.BlockSpec((32, 1), lambda i: (0, 0)),
            pl.BlockSpec((1, 1), lambda i: (0, 0)),
        ],
        out_specs=pl.BlockSpec((_BT,), lambda i: (i,)),
        out_shape=jax.ShapeDtypeStruct((B,), jnp.float32),
    )(xt, lt, W1, b1, W2, b2, W3, b3)


def kernel(x_cat, lin_tables, emb_tables, W1, b1, W2, b2, W3, b3):
    emb_t = jnp.transpose(emb_tables, (0, 2, 1))
    lin2d = jnp.transpose(lin_tables, (0, 2, 1)).reshape(F, V)
    x_t = jnp.transpose(x_cat.astype(jnp.int32), (1, 0))

    xt, lt = _sc_gather_all(emb_t, lin2d, x_t)

    return _tc_head(xt, lt, W1, b1.reshape(64, 1), W2, b2.reshape(32, 1),
                    W3, b3.reshape(1, 1))

# --- scband reference (transcript-rebuilt; emitter-appended) ---
"""Pipeline reference for scband-deep-fm-23562190586306 (READ-ONLY COPY).

The authoritative reference and input builder live on the scoring server;
editing this copy changes nothing except your own understanding.
"""

import jax, jax.numpy as jnp
import numpy as np

F = 26
V = 100000
D = 16
B = 4096
H1 = 64
H2 = 32

def setup_inputs(seed: int = 0) -> dict:
    key = jax.random.key(seed)
    ks = jax.random.split(key, 10)
    x_cat = jax.random.randint(ks[0], (B, F), 0, V)
    lin_tables = jax.random.normal(ks[1], (F, V, 1), dtype=jnp.float32) * 0.01
    emb_tables = jax.random.normal(ks[2], (F, V, D), dtype=jnp.float32) * 0.01
    W1 = jax.random.normal(ks[3], (F * D, H1), dtype=jnp.float32) * (1.0 / np.sqrt(F * D))
    b1 = jnp.zeros((H1,), dtype=jnp.float32)
    W2 = jax.random.normal(ks[4], (H1, H2), dtype=jnp.float32) * (1.0 / np.sqrt(H1))
    b2 = jnp.zeros((H2,), dtype=jnp.float32)
    W3 = jax.random.normal(ks[5], (H2, 1), dtype=jnp.float32) * (1.0 / np.sqrt(H2))
    b3 = jnp.zeros((1,), dtype=jnp.float32)
    return {"x_cat": x_cat, "lin_tables": lin_tables, "emb_tables": emb_tables,
            "W1": W1, "b1": b1, "W2": W2, "b2": b2, "W3": W3, "b3": b3}

def reference(x_cat, lin_tables, emb_tables, W1, b1, W2, b2, W3, b3):
    # per-field embedding lookups (gather), vmapped over the field axis
    gather = lambda tbl, idx: jnp.take(tbl, idx, axis=0)
    lin = jax.vmap(gather, in_axes=(0, 1), out_axes=1)(lin_tables, x_cat)   # [B, F, 1]
    linear_logit = jnp.sum(lin.reshape(lin.shape[0], F), axis=1)            # [B]
    embs = jax.vmap(gather, in_axes=(0, 1), out_axes=1)(emb_tables, x_cat)  # [B, F, D]
    sum_square = jnp.sum(embs, axis=1) ** 2                                 # [B, D]
    square_sum = jnp.sum(embs ** 2, axis=1)                                 # [B, D]
    fm_logit = 0.5 * jnp.sum(sum_square - square_sum, axis=1)               # [B]
    deep_input = embs.reshape(embs.shape[0], -1)                            # [B, F*D]
    h = jax.nn.relu(deep_input @ W1 + b1)  # dropout is identity in eval mode
    h = jax.nn.relu(h @ W2 + b2)
    deep_logit = (h @ W3 + b3).squeeze(1)                                   # [B]
    return linear_logit + fm_logit + deep_logit

if __name__ == "__main__":
    import jax
    _d = setup_inputs()
    print(jax.jit(kernel)(*tuple(_d.values())))

</pallas_src>

<mosaic_0001>
#map = affine_map<(d0, d1) -> (0, 0, 0)>
#map1 = affine_map<(d0, d1) -> (0, 0)>
module attributes {stable_mosaic.version = 14 : i64} {
  func.func @k(%arg0: i32, %arg1: i32, %arg2: memref<26x16x100000xf32, #tpu.memory_space<hbm>>, %arg3: memref<26x100000xf32, #tpu.memory_space<hbm>>, %arg4: memref<26x4096xi32, #tpu.memory_space<hbm>>, %arg5: memref<416x4096xf32, #tpu.memory_space<hbm>>, %arg6: memref<26x4096xf32, #tpu.memory_space<hbm>>, %arg7: memref<100000xf32, #tpu.memory_space<vmem>>, %arg8: memref<4096xi32, #tpu.memory_space<vmem>>, %arg9: memref<4096xf32, #tpu.memory_space<vmem>>, %arg10: memref<4096xf32, #tpu.memory_space<vmem>>, %arg11: memref<!tpu.dma_semaphore, #tpu.memory_space<semaphore_mem>>, %arg12: memref<!tpu.dma_semaphore, #tpu.memory_space<semaphore_mem>>, %arg13: memref<!tpu.dma_semaphore, #tpu.memory_space<semaphore_mem>>) attributes {dimension_semantics = [#tpu.dimension_semantics<core_parallel>, #tpu.dimension_semantics<subcore_parallel>], iteration_bounds = array<i64: 2, 16>, scalar_prefetch = 0 : i64, scratch_operands = 7 : i64, tpu.core_type = #tpu.core_type<sc_vector_subcore>, window_params = [{transform_indices = #map}, {transform_indices = #map1}, {transform_indices = #map1}, {transform_indices = #map1}, {transform_indices = #map1}]} {
    %mul3A = arith.constant 2 : i32
    %mul3A_0 = arith.muli %arg1, %mul3A : i32
    %add3A = arith.addi %mul3A_0, %arg0 : i32
    %lt3A = arith.constant 26 : i32
    %lt3A_1 = arith.cmpi slt, %add3A, %lt3A : i32
    %convert_element_type3A = arith.extui %lt3A_1 : i1 to i32
    %cond3A = arith.constant 0 : i32
    %cond3A_2 = arith.cmpi ne, %convert_element_type3A, %cond3A : i32
    scf.if %cond3A_2 {
      %dma_start3A_468 = arith.constant 0 : i32
      %dma_start3A_469 = tpu.memref_slice %arg3[%add3A, %dma_start3A_468] : memref<26x100000xf32, #tpu.memory_space<hbm>> -> memref<1x100000xf32, #tpu.memory_space<hbm>>
      %dma_start3A_470 = tpu.memref_squeeze %dma_start3A_469 : memref<1x100000xf32, #tpu.memory_space<hbm>> -> memref<100000xf32, #tpu.memory_space<hbm>>
      %dma_start3A_471 = arith.constant 0 : i32
      %dma_start3A_472 = tpu.memref_slice %arg3[%add3A, %dma_start3A_471] : memref<26x100000xf32, #tpu.memory_space<hbm>> -> memref<1x100000xf32, #tpu.memory_space<hbm>>
      %dma_start3A_473 = tpu.memref_squeeze %dma_start3A_472 : memref<1x100000xf32, #tpu.memory_space<hbm>> -> memref<100000xf32, #tpu.memory_space<hbm>>
      tpu.enqueue_dma source(%dma_start3A_473 : memref<100000xf32, #tpu.memory_space<hbm>>) target(%arg7 : memref<100000xf32, #tpu.memory_space<vmem>>) target_semaphore(%arg11 : memref<!tpu.dma_semaphore, #tpu.memory_space<semaphore_mem>>)
      "tpu.region"() ({
        %run_scoped3A = tpu.sem_alloc : memref<!tpu.dma_semaphore, #tpu.memory_space<semaphore_mem>>
        %dma_start3A_487 = arith.constant 0 : i32
        %dma_start3A_488 = tpu.memref_slice %arg4[%add3A, %dma_start3A_487] : memref<26x4096xi32, #tpu.memory_space<hbm>> -> memref<1x4096xi32, #tpu.memory_space<hbm>>
        %dma_start3A_489 = tpu.memref_squeeze %dma_start3A_488 : memref<1x4096xi32, #tpu.memory_space<hbm>> -> memref<4096xi32, #tpu.memory_space<hbm>>
        %dma_start3A_490 = arith.constant 0 : i32
        %dma_start3A_491 = tpu.memref_slice %arg4[%add3A, %dma_start3A_490] : memref<26x4096xi32, #tpu.memory_space<hbm>> -> memref<1x4096xi32, #tpu.memory_space<hbm>>
        %dma_start3A_492 = tpu.memref_squeeze %dma_start3A_491 : memref<1x4096xi32, #tpu.memory_space<hbm>> -> memref<4096xi32, #tpu.memory_space<hbm>>
        tpu.enqueue_dma source(%dma_start3A_492 : memref<4096xi32, #tpu.memory_space<hbm>>) target(%arg8 : memref<4096xi32, #tpu.memory_space<vmem>>) target_semaphore(%run_scoped3A : memref<!tpu.dma_semaphore, #tpu.memory_space<semaphore_mem>>)
        %dma_wait3A_493 = arith.constant 0 : i32
        %dma_wait3A_494 = tpu.memref_slice %arg4[%add3A, %dma_wait3A_493] : memref<26x4096xi32, #tpu.memory_space<hbm>> -> memref<1x4096xi32, #tpu.memory_space<hbm>>
        %dma_wait3A_495 = tpu.memref_squeeze %dma_wait3A_494 : memref<1x4096xi32, #tpu.memory_space<hbm>> -> memref<4096xi32, #tpu.memory_space<hbm>>
        %dma_wait3A_496 = arith.constant 0 : i32
        %dma_wait3A_497 = tpu.memref_slice %arg4[%add3A, %dma_wait3A_496] : memref<26x4096xi32, #tpu.memory_space<hbm>> -> memref<1x4096xi32, #tpu.memory_space<hbm>>
        %dma_wait3A_498 = tpu.memref_squeeze %dma_wait3A_497 : memref<1x4096xi32, #tpu.memory_space<hbm>> -> memref<4096xi32, #tpu.memory_space<hbm>>
        tpu.wait_dma2 semaphore(%run_scoped3A : memref<!tpu.dma_semaphore, #tpu.memory_space<semaphore_mem>>) src(%dma_wait3A_498 : memref<4096xi32, #tpu.memory_space<hbm>>) dst(%arg8 : memref<4096xi32, #tpu.memory_space<vmem>>)
        tpu.yield
      }) : () -> ()
      %dma_wait3A_474 = arith.constant 0 : i32
      %dma_wait3A_475 = tpu.memref_slice %arg3[%add3A, %dma_wait3A_474] : memref<26x100000xf32, #tpu.memory_space<hbm>> -> memref<1x100000xf32, #tpu.memory_space<hbm>>
      %dma_wait3A_476 = tpu.memref_squeeze %dma_wait3A_475 : memref<1x100000xf32, #tpu.memory_space<hbm>> -> memref<100000xf32, #tpu.memory_space<hbm>>
      %dma_wait3A_477 = arith.constant 0 : i32
      %dma_wait3A_478 = tpu.memref_slice %arg3[%add3A, %dma_wait3A_477] : memref<26x100000xf32, #tpu.memory_space<hbm>> -> memref<1x100000xf32, #tpu.memory_space<hbm>>
      %dma_wait3A_479 = tpu.memref_squeeze %dma_wait3A_478 : memref<1x100000xf32, #tpu.memory_space<hbm>> -> memref<100000xf32, #tpu.memory_space<hbm>>
      tpu.wait_dma2 semaphore(%arg11 : memref<!tpu.dma_semaphore, #tpu.memory_space<semaphore_mem>>) src(%dma_wait3A_479 : memref<100000xf32, #tpu.memory_space<hbm>>) dst(%arg7 : memref<100000xf32, #tpu.memory_space<vmem>>)
      %scan3A_480 = arith.constant 0 : i32
      %scan3A_481 = arith.constant 0 : i32
      %scan3A_482 = arith.constant 256 : i32
      %scan3A_483 = arith.addi %scan3A_481, %scan3A_482 : i32
      %scan3A_484 = arith.constant 1 : i32
      %scan3A_485 = scf.for %scan3A_487 = %scan3A_481 to %scan3A_483 step %scan3A_484 iter_args(%scan3A_488 = %scan3A_480) -> (i32)  : i32 {
        %mul3A_489 = arith.constant 16 : i32
        %mul3A_490 = arith.muli %scan3A_487, %mul3A_489 : i32
        %get3A = arith.index_cast %mul3A_490 : i32 to index
        %get3A_491 = tpu.vector_load %arg8[%get3A] {strides = array<i32>} : memref<4096xi32, #tpu.memory_space<vmem>>, vector<16xi32>,
        %gather3A = tpu.vector_load_idx %arg7[%get3A_491] : memref<100000xf32, #tpu.memory_space<vmem>>[vector<16xi32>], vector<16xf32>,
        %mul3A_492 = arith.constant 16 : i32
        %mul3A_493 = arith.muli %scan3A_487, %mul3A_492 : i32
        %swap3A = arith.index_cast %mul3A_493 : i32 to index
        %swap3A_494 = tpu.vector_load %arg9[%swap3A] {strides = array<i32>} : memref<4096xf32, #tpu.memory_space<vmem>>, vector<16xf32>,
        tpu.vector_store %arg9[%swap3A], %gather3A {strides = array<i32>} : memref<4096xf32, #tpu.memory_space<vmem>>, vector<16xf32>,
        %scan3A_495 = arith.constant 0 : i32
        scf.yield %scan3A_495 : i32
      }
      %scan3A_486 = arith.constant 256 : i32
      "tpu.region"() ({
        %run_scoped3A = tpu.sem_alloc : memref<!tpu.dma_semaphore, #tpu.memory_space<semaphore_mem>>
        %dma_start3A_487 = arith.constant 0 : i32
        %dma_start3A_488 = tpu.memref_slice %arg6[%add3A, %dma_start3A_487] : memref<26x4096xf32, #tpu.memory_space<hbm>> -> memref<1x4096xf32, #tpu.memory_space<hbm>>
        %dma_start3A_489 = tpu.memref_squeeze %dma_start3A_488 : memref<1x4096xf32, #tpu.memory_space<hbm>> -> memref<4096xf32, #tpu.memory_space<hbm>>
        %dma_start3A_490 = arith.constant 0 : i32
        %dma_start3A_491 = tpu.memref_slice %arg6[%add3A, %dma_start3A_490] : memref<26x4096xf32, #tpu.memory_space<hbm>> -> memref<1x4096xf32, #tpu.memory_space<hbm>>
        %dma_start3A_492 = tpu.memref_squeeze %dma_start3A_491 : memref<1x4096xf32, #tpu.memory_space<hbm>> -> memref<4096xf32, #tpu.memory_space<hbm>>
        tpu.enqueue_dma source(%arg9 : memref<4096xf32, #tpu.memory_space<vmem>>) target(%dma_start3A_492 : memref<4096xf32, #tpu.memory_space<hbm>>) target_semaphore(%run_scoped3A : memref<!tpu.dma_semaphore, #tpu.memory_space<semaphore_mem>>)
        %dma_wait3A_493 = arith.constant 0 : i32
        %dma_wait3A_494 = tpu.memref_slice %arg6[%add3A, %dma_wait3A_493] : memref<26x4096xf32, #tpu.memory_space<hbm>> -> memref<1x4096xf32, #tpu.memory_space<hbm>>
        %dma_wait3A_495 = tpu.memref_squeeze %dma_wait3A_494 : memref<1x4096xf32, #tpu.memory_space<hbm>> -> memref<4096xf32, #tpu.memory_space<hbm>>
        %dma_wait3A_496 = arith.constant 0 : i32
        %dma_wait3A_497 = tpu.memref_slice %arg6[%add3A, %dma_wait3A_496] : memref<26x4096xf32, #tpu.memory_space<hbm>> -> memref<1x4096xf32, #tpu.memory_space<hbm>>
        %dma_wait3A_498 = tpu.memref_squeeze %dma_wait3A_497 : memref<1x4096xf32, #tpu.memory_space<hbm>> -> memref<4096xf32, #tpu.memory_space<hbm>>
        tpu.wait_dma2 semaphore(%run_scoped3A : memref<!tpu.dma_semaphore, #tpu.memory_space<semaphore_mem>>) src(%arg9 : memref<4096xf32, #tpu.memory_space<vmem>>) dst(%dma_wait3A_498 : memref<4096xf32, #tpu.memory_space<hbm>>)
        tpu.yield
      }) : () -> ()
    } else {
    }
    %add3A_3 = arith.constant 0 : i32
    %add3A_4 = arith.addi %add3A_3, %arg0 : i32
    %dma_start3A = arith.constant 0 : i32
    %dma_start3A_5 = tpu.memref_slice %arg2[%add3A_4, %arg1, %dma_start3A] : memref<26x16x100000xf32, #tpu.memory_space<hbm>> -> memref<1x1x100000xf32, #tpu.memory_space<hbm>>
    %dma_start3A_6 = tpu.memref_squeeze %dma_start3A_5 : memref<1x1x100000xf32, #tpu.memory_space<hbm>> -> memref<100000xf32, #tpu.memory_space<hbm>>
    %dma_start3A_7 = arith.constant 0 : i32
    %dma_start3A_8 = tpu.memref_slice %arg2[%add3A_4, %arg1, %dma_start3A_7] : memref<26x16x100000xf32, #tpu.memory_space<hbm>> -> memref<1x1x100000xf32, #tpu.memory_space<hbm>>
    %dma_start3A_9 = tpu.memref_squeeze %dma_start3A_8 : memref<1x1x100000xf32, #tpu.memory_space<hbm>> -> memref<100000xf32, #tpu.memory_space<hbm>>
    tpu.enqueue_dma source(%dma_start3A_9 : memref<100000xf32, #tpu.memory_space<hbm>>) target(%arg7 : memref<100000xf32, #tpu.memory_space<vmem>>) target_semaphore(%arg11 : memref<!tpu.dma_semaphore, #tpu.memory_space<semaphore_mem>>)
    "tpu.region"() ({
      %run_scoped3A = tpu.sem_alloc : memref<!tpu.dma_semaphore, #tpu.memory_space<semaphore_mem>>
      %dma_start3A_468 = arith.constant 0 : i32
      %dma_start3A_469 = tpu.memref_slice %arg4[%add3A_4, %dma_start3A_468] : memref<26x4096xi32, #tpu.memory_space<hbm>> -> memref<1x4096xi32, #tpu.memory_space<hbm>>
      %dma_start3A_470 = tpu.memref_squeeze %dma_start3A_469 : memref<1x4096xi32, #tpu.memory_space<hbm>> -> memref<4096xi32, #tpu.memory_space<hbm>>
      %dma_start3A_471 = arith.constant 0 : i32
      %dma_start3A_472 = tpu.memref_slice %arg4[%add3A_4, %dma_start3A_471] : memref<26x4096xi32, #tpu.memory_space<hbm>> -> memref<1x4096xi32, #tpu.memory_space<hbm>>
      %dma_start3A_473 = tpu.memref_squeeze %dma_start3A_472 : memref<1x4096xi32, #tpu.memory_space<hbm>> -> memref<4096xi32, #tpu.memory_space<hbm>>
      tpu.enqueue_dma source(%dma_start3A_473 : memref<4096xi32, #tpu.memory_space<hbm>>) target(%arg8 : memref<4096xi32, #tpu.memory_space<vmem>>) target_semaphore(%run_scoped3A : memref<!tpu.dma_semaphore, #tpu.memory_space<semaphore_mem>>)
      %dma_wait3A_474 = arith.constant 0 : i32
      %dma_wait3A_475 = tpu.memref_slice %arg4[%add3A_4, %dma_wait3A_474] : memref<26x4096xi32, #tpu.memory_space<hbm>> -> memref<1x4096xi32, #tpu.memory_space<hbm>>
      %dma_wait3A_476 = tpu.memref_squeeze %dma_wait3A_475 : memref<1x4096xi32, #tpu.memory_space<hbm>> -> memref<4096xi32, #tpu.memory_space<hbm>>
      %dma_wait3A_477 = arith.constant 0 : i32
      %dma_wait3A_478 = tpu.memref_slice %arg4[%add3A_4, %dma_wait3A_477] : memref<26x4096xi32, #tpu.memory_space<hbm>> -> memref<1x4096xi32, #tpu.memory_space<hbm>>
      %dma_wait3A_479 = tpu.memref_squeeze %dma_wait3A_478 : memref<1x4096xi32, #tpu.memory_space<hbm>> -> memref<4096xi32, #tpu.memory_space<hbm>>
      tpu.wait_dma2 semaphore(%run_scoped3A : memref<!tpu.dma_semaphore, #tpu.memory_space<semaphore_mem>>) src(%dma_wait3A_479 : memref<4096xi32, #tpu.memory_space<hbm>>) dst(%arg8 : memref<4096xi32, #tpu.memory_space<vmem>>)
      tpu.yield
    }) : () -> ()
    %dma_wait3A = arith.constant 0 : i32
    %dma_wait3A_10 = tpu.memref_slice %arg2[%add3A_4, %arg1, %dma_wait3A] : memref<26x16x100000xf32, #tpu.memory_space<hbm>> -> memref<1x1x100000xf32, #tpu.memory_space<hbm>>
    %dma_wait3A_11 = tpu.memref_squeeze %dma_wait3A_10 : memref<1x1x100000xf32, #tpu.memory_space<hbm>> -> memref<100000xf32, #tpu.memory_space<hbm>>
    %dma_wait3A_12 = arith.constant 0 : i32
    %dma_wait3A_13 = tpu.memref_slice %arg2[%add3A_4, %arg1, %dma_wait3A_12] : memref<26x16x100000xf32, #tpu.memory_space<hbm>> -> memref<1x1x100000xf32, #tpu.memory_space<hbm>>
    %dma_wait3A_14 = tpu.memref_squeeze %dma_wait3A_13 : memref<1x1x100000xf32, #tpu.memory_space<hbm>> -> memref<100000xf32, #tpu.memory_space<hbm>>
    tpu.wait_dma2 semaphore(%arg11 : memref<!tpu.dma_semaphore, #tpu.memory_space<semaphore_mem>>) src(%dma_wait3A_14 : memref<100000xf32, #tpu.memory_space<hbm>>) dst(%arg7 : memref<100000xf32, #tpu.memory_space<vmem>>)
    %scan3A = arith.constant 0 : i32
    %scan3A_15 = arith.constant 0 : i32
    %scan3A_16 = arith.constant 256 : i32
    %scan3A_17 = arith.addi %scan3A_15, %scan3A_16 : i32
    %scan3A_18 = arith.constant 1 : i32
    %scan3A_19 = scf.for %scan3A_468 = %scan3A_15 to %scan3A_17 step %scan3A_18 iter_args(%scan3A_469 = %scan3A) -> (i32)  : i32 {
      %mul3A_470 = arith.constant 16 : i32
      %mul3A_471 = arith.muli %scan3A_468, %mul3A_470 : i32
      %get3A = arith.index_cast %mul3A_471 : i32 to index
      %get3A_472 = tpu.vector_load %arg8[%get3A] {strides = array<i32>} : memref<4096xi32, #tpu.memory_space<vmem>>, vector<16xi32>,
      %gather3A = tpu.vector_load_idx %arg7[%get3A_472] : memref<100000xf32, #tpu.memory_space<vmem>>[vector<16xi32>], vector<16xf32>,
      %mul3A_473 = arith.constant 16 : i32
      %mul3A_474 = arith.muli %scan3A_468, %mul3A_473 : i32
      %swap3A = arith.index_cast %mul3A_474 : i32 to index
      %swap3A_475 = tpu.vector_load %arg9[%swap3A] {strides = array<i32>} : memref<4096xf32, #tpu.memory_space<vmem>>, vector<16xf32>,
      tpu.vector_store %arg9[%swap3A], %gather3A {strides = array<i32>} : memref<4096xf32, #tpu.memory_space<vmem>>, vector<16xf32>,
      %scan3A_476 = arith.constant 0 : i32
      scf.yield %scan3A_476 : i32
    }
    %scan3A_20 = arith.constant 256 : i32
    %mul3A_21 = arith.constant 16 : i32
    %mul3A_22 = arith.muli %add3A_4, %mul3A_21 : i32
    %add3A_23 = arith.addi %mul3A_22, %arg1 : i32
    %dma_start3A_24 = arith.constant 0 : i32
    %dma_start3A_25 = tpu.memref_slice %arg5[%add3A_23, %dma_start3A_24] : memref<416x4096xf32, #tpu.memory_space<hbm>> -> memref<1x4096xf32, #tpu.memory_space<hbm>>
    %dma_start3A_26 = tpu.memref_squeeze %dma_start3A_25 : memref<1x4096xf32, #tpu.memory_space<hbm>> -> memref<4096xf32, #tpu.memory_space<hbm>>
    %dma_start3A_27 = arith.constant 0 : i32
    %dma_start3A_28 = tpu.memref_slice %arg5[%add3A_23, %dma_start3A_27] : memref<416x4096xf32, #tpu.memory_space<hbm>> -> memref<1x4096xf32, #tpu.memory_space<hbm>>
    %dma_start3A_29 = tpu.memref_squeeze %dma_start3A_28 : memref<1x4096xf32, #tpu.memory_space<hbm>> -> memref<4096xf32, #tpu.memory_space<hbm>>
    tpu.enqueue_dma source(%arg9 : memref<4096xf32, #tpu.memory_space<vmem>>) target(%dma_start3A_29 : memref<4096xf32, #tpu.memory_space<hbm>>) target_semaphore(%arg12 : memref<!tpu.dma_semaphore, #tpu.memory_space<semaphore_mem>>)
    %add3A_30 = arith.constant 2 : i32
    %add3A_31 = arith.addi %add3A_30, %arg0 : i32
    %dma_start3A_32 = arith.constant 0 : i32
    %dma_start3A_33 = tpu.memref_slice %arg2[%add3A_31, %arg1, %dma_start3A_32] : memref<26x16x100000xf32, #tpu.memory_space<hbm>> -> memref<1x1x100000xf32, #tpu.memory_space<hbm>>
    %dma_start3A_34 = tpu.memref_squeeze %dma_start3A_33 : memref<1x1x100000xf32, #tpu.memory_space<hbm>> -> memref<100000xf32, #tpu.memory_space<hbm>>
    %dma_start3A_35 = arith.constant 0 : i32
    %dma_start3A_36 = tpu.memref_slice %arg2[%add3A_31, %arg1, %dma_start3A_35] : memref<26x16x100000xf32, #tpu.memory_space<hbm>> -> memref<1x1x100000xf32, #tpu.memory_space<hbm>>
    %dma_start3A_37 = tpu.memref_squeeze %dma_start3A_36 : memref<1x1x100000xf32, #tpu.memory_space<hbm>> -> memref<100000xf32, #tpu.memory_space<hbm>>
    tpu.enqueue_dma source(%dma_start3A_37 : memref<100000xf32, #tpu.memory_space<hbm>>) target(%arg7 : memref<100000xf32, #tpu.memory_space<vmem>>) target_semaphore(%arg11 : memref<!tpu.dma_semaphore, #tpu.memory_space<semaphore_mem>>)
    "tpu.region"() ({
      %run_scoped3A = tpu.sem_alloc : memref<!tpu.dma_semaphore, #tpu.memory_space<semaphore_mem>>
      %dma_start3A_468 = arith.constant 0 : i32
      %dma_start3A_469 = tpu.memref_slice %arg4[%add3A_31, %dma_start3A_468] : memref<26x4096xi32, #tpu.memory_space<hbm>> -> memref<1x4096xi32, #tpu.memory_space<hbm>>
      %dma_start3A_470 = tpu.memref_squeeze %dma_start3A_469 : memref<1x4096xi32, #tpu.memory_space<hbm>> -> memref<4096xi32, #tpu.memory_space<hbm>>
      %dma_start3A_471 = arith.constant 0 : i32
      %dma_start3A_472 = tpu.memref_slice %arg4[%add3A_31, %dma_start3A_471] : memref<26x4096xi32, #tpu.memory_space<hbm>> -> memref<1x4096xi32, #tpu.memory_space<hbm>>
      %dma_start3A_473 = tpu.memref_squeeze %dma_start3A_472 : memref<1x4096xi32, #tpu.memory_space<hbm>> -> memref<4096xi32, #tpu.memory_space<hbm>>
      tpu.enqueue_dma source(%dma_start3A_473 : memref<4096xi32, #tpu.memory_space<hbm>>) target(%arg8 : memref<4096xi32, #tpu.memory_space<vmem>>) target_semaphore(%run_scoped3A : memref<!tpu.dma_semaphore, #tpu.memory_space<semaphore_mem>>)
      %dma_wait3A_474 = arith.constant 0 : i32
      %dma_wait3A_475 = tpu.memref_slice %arg4[%add3A_31, %dma_wait3A_474] : memref<26x4096xi32, #tpu.memory_space<hbm>> -> memref<1x4096xi32, #tpu.memory_space<hbm>>
      %dma_wait3A_476 = tpu.memref_squeeze %dma_wait3A_475 : memref<1x4096xi32, #tpu.memory_space<hbm>> -> memref<4096xi32, #tpu.memory_space<hbm>>
      %dma_wait3A_477 = arith.constant 0 : i32
      %dma_wait3A_478 = tpu.memref_slice %arg4[%add3A_31, %dma_wait3A_477] : memref<26x4096xi32, #tpu.memory_space<hbm>> -> memref<1x4096xi32, #tpu.memory_space<hbm>>
      %dma_wait3A_479 = tpu.memref_squeeze %dma_wait3A_478 : memref<1x4096xi32, #tpu.memory_space<hbm>> -> memref<4096xi32, #tpu.memory_space<hbm>>
      tpu.wait_dma2 semaphore(%run_scoped3A : memref<!tpu.dma_semaphore, #tpu.memory_space<semaphore_mem>>) src(%dma_wait3A_479 : memref<4096xi32, #tpu.memory_space<hbm>>) dst(%arg8 : memref<4096xi32, #tpu.memory_space<vmem>>)
      tpu.yield
    }) : () -> ()
    %dma_wait3A_38 = arith.constant 0 : i32
    %dma_wait3A_39 = tpu.memref_slice %arg2[%add3A_31, %arg1, %dma_wait3A_38] : memref<26x16x100000xf32, #tpu.memory_space<hbm>> -> memref<1x1x100000xf32, #tpu.memory_space<hbm>>
    %dma_wait3A_40 = tpu.memref_squeeze %dma_wait3A_39 : memref<1x1x100000xf32, #tpu.memory_space<hbm>> -> memref<100000xf32, #tpu.memory_space<hbm>>
    %dma_wait3A_41 = arith.constant 0 : i32
    %dma_wait3A_42 = tpu.memref_slice %arg2[%add3A_31, %arg1, %dma_wait3A_41] : memref<26x16x100000xf32, #tpu.memory_space<hbm>> -> memref<1x1x100000xf32, #tpu.memory_space<hbm>>
    %dma_wait3A_43 = tpu.memref_squeeze %dma_wait3A_42 : memref<1x1x100000xf32, #tpu.memory_space<hbm>> -> memref<100000xf32, #tpu.memory_space<hbm>>
    tpu.wait_dma2 semaphore(%arg11 : memref<!tpu.dma_semaphore, #tpu.memory_space<semaphore_mem>>) src(%dma_wait3A_43 : memref<100000xf32, #tpu.memory_space<hbm>>) dst(%arg7 : memref<100000xf32, #tpu.memory_space<vmem>>)
    %scan3A_44 = arith.constant 0 : i32
    %scan3A_45 = arith.constant 0 : i32
    %scan3A_46 = arith.constant 256 : i32
    %scan3A_47 = arith.addi %scan3A_45, %scan3A_46 : i32
    %scan3A_48 = arith.constant 1 : i32
    %scan3A_49 = scf.for %scan3A_468 = %scan3A_45 to %scan3A_47 step %scan3A_48 iter_args(%scan3A_469 = %scan3A_44) -> (i32)  : i32 {
      %mul3A_470 = arith.constant 16 : i32
      %mul3A_471 = arith.muli %scan3A_468, %mul3A_470 : i32
      %get3A = arith.index_cast %mul3A_471 : i32 to index
      %get3A_472 = tpu.vector_load %arg8[%get3A] {strides = array<i32>} : memref<4096xi32, #tpu.memory_space<vmem>>, vector<16xi32>,
      %gather3A = tpu.vector_load_idx %arg7[%get3A_472] : memref<100000xf32, #tpu.memory_space<vmem>>[vector<16xi32>], vector<16xf32>,
      %mul3A_473 = arith.constant 16 : i32
      %mul3A_474 = arith.muli %scan3A_468, %mul3A_473 : i32
      %swap3A = arith.index_cast %mul3A_474 : i32 to index
      %swap3A_475 = tpu.vector_load %arg10[%swap3A] {strides = array<i32>} : memref<4096xf32, #tpu.memory_space<vmem>>, vector<16xf32>,
      tpu.vector_store %arg10[%swap3A], %gather3A {strides = array<i32>} : memref<4096xf32, #tpu.memory_space<vmem>>, vector<16xf32>,
      %scan3A_476 = arith.constant 0 : i32
      scf.yield %scan3A_476 : i32
    }
    %scan3A_50 = arith.constant 256 : i32
    %mul3A_51 = arith.constant 16 : i32
    %mul3A_52 = arith.muli %add3A_31, %mul3A_51 : i32
    %add3A_53 = arith.addi %mul3A_52, %arg1 : i32
    %dma_start3A_54 = arith.constant 0 : i32
    %dma_start3A_55 = tpu.memref_slice %arg5[%add3A_53, %dma_start3A_54] : memref<416x4096xf32, #tpu.memory_space<hbm>> -> memref<1x4096xf32, #tpu.memory_space<hbm>>
    %dma_start3A_56 = tpu.memref_squeeze %dma_start3A_55 : memref<1x4096xf32, #tpu.memory_space<hbm>> -> memref<4096xf32, #tpu.memory_space<hbm>>
    %dma_start3A_57 = arith.constant 0 : i32
    %dma_start3A_58 = tpu.memref_slice %arg5[%add3A_53, %dma_start3A_57] : memref<416x4096xf32, #tpu.memory_space<hbm>> -> memref<1x4096xf32, #tpu.memory_space<hbm>>
    %dma_start3A_59 = tpu.memref_squeeze %dma_start3A_58 : memref<1x4096xf32, #tpu.memory_space<hbm>> -> memref<4096xf32, #tpu.memory_space<hbm>>
    tpu.enqueue_dma source(%arg10 : memref<4096xf32, #tpu.memory_space<vmem>>) target(%dma_start3A_59 : memref<4096xf32, #tpu.memory_space<hbm>>) target_semaphore(%arg13 : memref<!tpu.dma_semaphore, #tpu.memory_space<semaphore_mem>>)
    %add3A_60 = arith.constant 4 : i32
    %add3A_61 = arith.addi %add3A_60, %arg0 : i32
    %dma_start3A_62 = arith.constant 0 : i32
    %dma_start3A_63 = tpu.memref_slice %arg2[%add3A_61, %arg1, %dma_start3A_62] : memref<26x16x100000xf32, #tpu.memory_space<hbm>> -> memref<1x1x100000xf32, #tpu.memory_space<hbm>>
    %dma_start3A_64 = tpu.memref_squeeze %dma_start3A_63 : memref<1x1x100000xf32, #tpu.memory_space<hbm>> -> memref<100000xf32, #tpu.memory_space<hbm>>
    %dma_start3A_65 = arith.constant 0 : i32
    %dma_start3A_66 = tpu.memref_slice %arg2[%add3A_61, %arg1, %dma_start3A_65] : memref<26x16x100000xf32, #tpu.memory_space<hbm>> -> memref<1x1x100000xf32, #tpu.memory_space<hbm>>
    %dma_start3A_67 = tpu.memref_squeeze %dma_start3A_66 : memref<1x1x100000xf32, #tpu.memory_space<hbm>> -> memref<100000xf32, #tpu.memory_space<hbm>>
    tpu.enqueue_dma source(%dma_start3A_67 : memref<100000xf32, #tpu.memory_space<hbm>>) target(%arg7 : memref<100000xf32, #tpu.memory_space<vmem>>) target_semaphore(%arg11 : memref<!tpu.dma_semaphore, #tpu.memory_space<semaphore_mem>>)
    "tpu.region"() ({
      %run_scoped3A = tpu.sem_alloc : memref<!tpu.dma_semaphore, #tpu.memory_space<semaphore_mem>>
      %dma_start3A_468 = arith.constant 0 : i32
      %dma_start3A_469 = tpu.memref_slice %arg4[%add3A_61, %dma_start3A_468] : memref<26x4096xi32, #tpu.memory_space<hbm>> -> memref<1x4096xi32, #tpu.memory_space<hbm>>
      %dma_start3A_470 = tpu.memref_squeeze %dma_start3A_469 : memref<1x4096xi32, #tpu.memory_space<hbm>> -> memref<4096xi32, #tpu.memory_space<hbm>>
      %dma_start3A_471 = arith.constant 0 : i32
      %dma_start3A_472 = tpu.memref_slice %arg4[%add3A_61, %dma_start3A_471] : memref<26x4096xi32, #tpu.memory_space<hbm>> -> memref<1x4096xi32, #tpu.memory_space<hbm>>
      %dma_start3A_473 = tpu.memref_squeeze %dma_start3A_472 : memref<1x4096xi32, #tpu.memory_space<hbm>> -> memref<4096xi32, #tpu.memory_space<hbm>>
      tpu.enqueue_dma source(%dma_start3A_473 : memref<4096xi32, #tpu.memory_space<hbm>>) target(%arg8 : memref<4096xi32, #tpu.memory_space<vmem>>) target_semaphore(%run_scoped3A : memref<!tpu.dma_semaphore, #tpu.memory_space<semaphore_mem>>)
      %dma_wait3A_474 = arith.constant 0 : i32
      %dma_wait3A_475 = tpu.memref_slice %arg4[%add3A_61, %dma_wait3A_474] : memref<26x4096xi32, #tpu.memory_space<hbm>> -> memref<1x4096xi32, #tpu.memory_space<hbm>>
      %dma_wait3A_476 = tpu.memref_squeeze %dma_wait3A_475 : memref<1x4096xi32, #tpu.memory_space<hbm>> -> memref<4096xi32, #tpu.memory_space<hbm>>
      %dma_wait3A_477 = arith.constant 0 : i32
      %dma_wait3A_478 = tpu.memref_slice %arg4[%add3A_61, %dma_wait3A_477] : memref<26x4096xi32, #tpu.memory_space<hbm>> -> memref<1x4096xi32, #tpu.memory_space<hbm>>
      %dma_wait3A_479 = tpu.memref_squeeze %dma_wait3A_478 : memref<1x4096xi32, #tpu.memory_space<hbm>> -> memref<4096xi32, #tpu.memory_space<hbm>>
      tpu.wait_dma2 semaphore(%run_scoped3A : memref<!tpu.dma_semaphore, #tpu.memory_space<semaphore_mem>>) src(%dma_wait3A_479 : memref<4096xi32, #tpu.memory_space<hbm>>) dst(%arg8 : memref<4096xi32, #tpu.memory_space<vmem>>)
      tpu.yield
    }) : () -> ()
    %dma_wait3A_68 = arith.constant 0 : i32
    %dma_wait3A_69 = tpu.memref_slice %arg5[%add3A_23, %dma_wait3A_68] : memref<416x4096xf32, #tpu.memory_space<hbm>> -> memref<1x4096xf32, #tpu.memory_space<hbm>>
    %dma_wait3A_70 = tpu.memref_squeeze %dma_wait3A_69 : memref<1x4096xf32, #tpu.memory_space<hbm>> -> memref<4096xf32, #tpu.memory_space<hbm>>
    %dma_wait3A_71 = arith.constant 0 : i32
    %dma_wait3A_72 = tpu.memref_slice %arg5[%add3A_23, %dma_wait3A_71] : memref<416x4096xf32, #tpu.memory_space<hbm>> -> memref<1x4096xf32, #tpu.memory_space<hbm>>
    %dma_wait3A_73 = tpu.memref_squeeze %dma_wait3A_72 : memref<1x4096xf32, #tpu.memory_space<hbm>> -> memref<4096xf32, #tpu.memory_space<hbm>>
    tpu.wait_dma2 semaphore(%arg12 : memref<!tpu.dma_semaphore, #tpu.memory_space<semaphore_mem>>) src(%arg9 : memref<4096xf32, #tpu.memory_space<vmem>>) dst(%dma_wait3A_73 : memref<4096xf32, #tpu.memory_space<hbm>>)
    %dma_wait3A_74 = arith.constant 0 : i32
    %dma_wait3A_75 = tpu.memref_slice %arg2[%add3A_61, %arg1, %dma_wait3A_74] : memref<26x16x100000xf32, #tpu.memory_space<hbm>> -> memref<1x1x100000xf32, #tpu.memory_space<hbm>>
    %dma_wait3A_76 = tpu.memref_squeeze %dma_wait3A_75 : memref<1x1x100000xf32, #tpu.memory_space<hbm>> -> memref<100000xf32, #tpu.memory_space<hbm>>
    %dma_wait3A_77 = arith.constant 0 : i32
    %dma_wait3A_78 = tpu.memref_slice %arg2[%add3A_61, %arg1, %dma_wait3A_77] : memref<26x16x100000xf32, #tpu.memory_space<hbm>> -> memref<1x1x100000xf32, #tpu.memory_space<hbm>>
    %dma_wait3A_79 = tpu.memref_squeeze %dma_wait3A_78 : memref<1x1x100000xf32, #tpu.memory_space<hbm>> -> memref<100000xf32, #tpu.memory_space<hbm>>
    tpu.wait_dma2 semaphore(%arg11 : memref<!tpu.dma_semaphore, #tpu.memory_space<semaphore_mem>>) src(%dma_wait3A_79 : memref<100000xf32, #tpu.memory_space<hbm>>) dst(%arg7 : memref<100000xf32, #tpu.memory_space<vmem>>)
    %scan3A_80 = arith.constant 0 : i32
    %scan3A_81 = arith.constant 0 : i32
    %scan3A_82 = arith.constant 256 : i32
    %scan3A_83 = arith.addi %scan3A_81, %scan3A_82 : i32
    %scan3A_84 = arith.constant 1 : i32
    %scan3A_85 = scf.for %scan3A_468 = %scan3A_81 to %scan3A_83 step %scan3A_84 iter_args(%scan3A_469 = %scan3A_80) -> (i32)  : i32 {
      %mul3A_470 = arith.constant 16 : i32
      %mul3A_471 = arith.muli %scan3A_468, %mul3A_470 : i32
      %get3A = arith.index_cast %mul3A_471 : i32 to index
      %get3A_472 = tpu.vector_load %arg8[%get3A] {strides = array<i32>} : memref<4096xi32, #tpu.memory_space<vmem>>, vector<16xi32>,
      %gather3A = tpu.vector_load_idx %arg7[%get3A_472] : memref<100000xf32, #tpu.memory_space<vmem>>[vector<16xi32>], vector<16xf32>,
      %mul3A_473 = arith.constant 16 : i32
      %mul3A_474 = arith.muli %scan3A_468, %mul3A_473 : i32
      %swap3A = arith.index_cast %mul3A_474 : i32 to index
      %swap3A_475 = tpu.vector_load %arg9[%swap3A] {strides = array<i32>} : memref<4096xf32, #tpu.memory_space<vmem>>, vector<16xf32>,
      tpu.vector_store %arg9[%swap3A], %gather3A {strides = array<i32>} : memref<4096xf32, #tpu.memory_space<vmem>>, vector<16xf32>,
      %scan3A_476 = arith.constant 0 : i32
      scf.yield %scan3A_476 : i32
    }
    %scan3A_86 = arith.constant 256 : i32
    %mul3A_87 = arith.constant 16 : i32
    %mul3A_88 = arith.muli %add3A_61, %mul3A_87 : i32
    %add3A_89 = arith.addi %mul3A_88, %arg1 : i32
    %dma_start3A_90 = arith.constant 0 : i32
    %dma_start3A_91 = tpu.memref_slice %arg5[%add3A_89, %dma_start3A_90] : memref<416x4096xf32, #tpu.memory_space<hbm>> -> memref<1x4096xf32, #tpu.memory_space<hbm>>
    %dma_start3A_92 = tpu.memref_squeeze %dma_start3A_91 : memref<1x4096xf32, #tpu.memory_space<hbm>> -> memref<4096xf32, #tpu.memory_space<hbm>>
    %dma_start3A_93 = arith.constant 0 : i32
    %dma_start3A_94 = tpu.memref_slice %arg5[%add3A_89, %dma_start3A_93] : memref<416x4096xf32, #tpu.memory_space<hbm>> -> memref<1x4096xf32, #tpu.memory_space<hbm>>
    %dma_start3A_95 = tpu.memref_squeeze %dma_start3A_94 : memref<1x4096xf32, #tpu.memory_space<hbm>> -> memref<4096xf32, #tpu.memory_space<hbm>>
    tpu.enqueue_dma source(%arg9 : memref<4096xf32, #tpu.memory_space<vmem>>) target(%dma_start3A_95 : memref<4096xf32, #tpu.memory_space<hbm>>) target_semaphore(%arg12 : memref<!tpu.dma_semaphore, #tpu.memory_space<semaphore_mem>>)
    %add3A_96 = arith.constant 6 : i32
    %add3A_97 = arith.addi %add3A_96, %arg0 : i32
    %dma_start3A_98 = arith.constant 0 : i32
    %dma_start3A_99 = tpu.memref_slice %arg2[%add3A_97, %arg1, %dma_start3A_98] : memref<26x16x100000xf32, #tpu.memory_space<hbm>> -> memref<1x1x100000xf32, #tpu.memory_space<hbm>>
    %dma_start3A_100 = tpu.memref_squeeze %dma_start3A_99 : memref<1x1x100000xf32, #tpu.memory_space<hbm>> -> memref<100000xf32, #tpu.memory_space<hbm>>
    %dma_start3A_101 = arith.constant 0 : i32
    %dma_start3A_102 = tpu.memref_slice %arg2[%add3A_97, %arg1, %dma_start3A_101] : memref<26x16x100000xf32, #tpu.memory_space<hbm>> -> memref<1x1x100000xf32, #tpu.memory_space<hbm>>
    %dma_start3A_103 = tpu.memref_squeeze %dma_start3A_102 : memref<1x1x100000xf32, #tpu.memory_space<hbm>> -> memref<100000xf32, #tpu.memory_space<hbm>>
    tpu.enqueue_dma source(%dma_start3A_103 : memref<100000xf32, #tpu.memory_space<hbm>>) target(%arg7 : memref<100000xf32, #tpu.memory_space<vmem>>) target_semaphore(%arg11 : memref<!tpu.dma_semaphore, #tpu.memory_space<semaphore_mem>>)
    "tpu.region"() ({
      %run_scoped3A = tpu.sem_alloc : memref<!tpu.dma_semaphore, #tpu.memory_space<semaphore_mem>>
      %dma_start3A_468 = arith.constant 0 : i32
      %dma_start3A_469 = tpu.memref_slice %arg4[%add3A_97, %dma_start3A_468] : memref<26x4096xi32, #tpu.memory_space<hbm>> -> memref<1x4096xi32, #tpu.memory_space<hbm>>
      %dma_start3A_470 = tpu.memref_squeeze %dma_start3A_469 : memref<1x4096xi32, #tpu.memory_space<hbm>> -> memref<4096xi32, #tpu.memory_space<hbm>>
      %dma_start3A_471 = arith.constant 0 : i32
      %dma_start3A_472 = tpu.memref_slice %arg4[%add3A_97, %dma_start3A_471] : memref<26x4096xi32, #tpu.memory_space<hbm>> -> memref<1x4096xi32, #tpu.memory_space<hbm>>
      %dma_start3A_473 = tpu.memref_squeeze %dma_start3A_472 : memref<1x4096xi32, #tpu.memory_space<hbm>> -> memref<4096xi32, #tpu.memory_space<hbm>>
      tpu.enqueue_dma source(%dma_start3A_473 : memref<4096xi32, #tpu.memory_space<hbm>>) target(%arg8 : memref<4096xi32, #tpu.memory_space<vmem>>) target_semaphore(%run_scoped3A : memref<!tpu.dma_semaphore, #tpu.memory_space<semaphore_mem>>)
      %dma_wait3A_474 = arith.constant 0 : i32
      %dma_wait3A_475 = tpu.memref_slice %arg4[%add3A_97, %dma_wait3A_474] : memref<26x4096xi32, #tpu.memory_space<hbm>> -> memref<1x4096xi32, #tpu.memory_space<hbm>>
      %dma_wait3A_476 = tpu.memref_squeeze %dma_wait3A_475 : memref<1x4096xi32, #tpu.memory_space<hbm>> -> memref<4096xi32, #tpu.memory_space<hbm>>
      %dma_wait3A_477 = arith.constant 0 : i32
      %dma_wait3A_478 = tpu.memref_slice %arg4[%add3A_97, %dma_wait3A_477] : memref<26x4096xi32, #tpu.memory_space<hbm>> -> memref<1x4096xi32, #tpu.memory_space<hbm>>
      %dma_wait3A_479 = tpu.memref_squeeze %dma_wait3A_478 : memref<1x4096xi32, #tpu.memory_space<hbm>> -> memref<4096xi32, #tpu.memory_space<hbm>>
      tpu.wait_dma2 semaphore(%run_scoped3A : memref<!tpu.dma_semaphore, #tpu.memory_space<semaphore_mem>>) src(%dma_wait3A_479 : memref<4096xi32, #tpu.memory_space<hbm>>) dst(%arg8 : memref<4096xi32, #tpu.memory_space<vmem>>)
      tpu.yield
    }) : () -> ()
    %dma_wait3A_104 = arith.constant 0 : i32
    %dma_wait3A_105 = tpu.memref_slice %arg5[%add3A_53, %dma_wait3A_104] : memref<416x4096xf32, #tpu.memory_space<hbm>> -> memref<1x4096xf32, #tpu.memory_space<hbm>>
    %dma_wait3A_106 = tpu.memref_squeeze %dma_wait3A_105 : memref<1x4096xf32, #tpu.memory_space<hbm>> -> memref<4096xf32, #tpu.memory_space<hbm>>
    %dma_wait3A_107 = arith.constant 0 : i32
    %dma_wait3A_108 = tpu.memref_slice %arg5[%add3A_53, %dma_wait3A_107] : memref<416x4096xf32, #tpu.memory_space<hbm>> -> memref<1x4096xf32, #tpu.memory_space<hbm>>
    %dma_wait3A_109 = tpu.memref_squeeze %dma_wait3A_108 : memref<1x4096xf32, #tpu.memory_space<hbm>> -> memref<4096xf32, #tpu.memory_space<hbm>>
    tpu.wait_dma2 semaphore(%arg13 : memref<!tpu.dma_semaphore, #tpu.memory_space<semaphore_mem>>) src(%arg10 : memref<4096xf32, #tpu.memory_space<vmem>>) dst(%dma_wait3A_109 : memref<4096xf32, #tpu.memory_space<hbm>>)
    %dma_wait3A_110 = arith.constant 0 : i32
    %dma_wait3A_111 = tpu.memref_slice %arg2[%add3A_97, %arg1, %dma_wait3A_110] : memref<26x16x100000xf32, #tpu.memory_space<hbm>> -> memref<1x1x100000xf32, #tpu.memory_space<hbm>>
    %dma_wait3A_112 = tpu.memref_squeeze %dma_wait3A_111 : memref<1x1x100000xf32, #tpu.memory_space<hbm>> -> memref<100000xf32, #tpu.memory_space<hbm>>
    %dma_wait3A_113 = arith.constant 0 : i32
    %dma_wait3A_114 = tpu.memref_slice %arg2[%add3A_97, %arg1, %dma_wait3A_113] : memref<26x16x100000xf32, #tpu.memory_space<hbm>> -> memref<1x1x100000xf32, #tpu.memory_space<hbm>>
    %dma_wait3A_115 = tpu.memref_squeeze %dma_wait3A_114 : memref<1x1x100000xf32, #tpu.memory_space<hbm>> -> memref<100000xf32, #tpu.memory_space<hbm>>
    tpu.wait_dma2 semaphore(%arg11 : memref<!tpu.dma_semaphore, #tpu.memory_space<semaphore_mem>>) src(%dma_wait3A_115 : memref<100000xf32, #tpu.memory_space<hbm>>) dst(%arg7 : memref<100000xf32, #tpu.memory_space<vmem>>)
    %scan3A_116 = arith.constant 0 : i32
    %scan3A_117 = arith.constant 0 : i32
    %scan3A_118 = arith.constant 256 : i32
    %scan3A_119 = arith.addi %scan3A_117, %scan3A_118 : i32
    %scan3A_120 = arith.constant 1 : i32
    %scan3A_121 = scf.for %scan3A_468 = %scan3A_117 to %scan3A_119 step %scan3A_120 iter_args(%scan3A_469 = %scan3A_116) -> (i32)  : i32 {
      %mul3A_470 = arith.constant 16 : i32
      %mul3A_471 = arith.muli %scan3A_468, %mul3A_470 : i32
      %get3A = arith.index_cast %mul3A_471 : i32 to index
      %get3A_472 = tpu.vector_load %arg8[%get3A] {strides = array<i32>} : memref<4096xi32, #tpu.memory_space<vmem>>, vector<16xi32>,
      %gather3A = tpu.vector_load_idx %arg7[%get3A_472] : memref<100000xf32, #tpu.memory_space<vmem>>[vector<16xi32>], vector<16xf32>,
      %mul3A_473 = arith.constant 16 : i32
      %mul3A_474 = arith.muli %scan3A_468, %mul3A_473 : i32
      %swap3A = arith.index_cast %mul3A_474 : i32 to index
      %swap3A_475 = tpu.vector_load %arg10[%swap3A] {strides = array<i32>} : memref<4096xf32, #tpu.memory_space<vmem>>, vector<16xf32>,
      tpu.vector_store %arg10[%swap3A], %gather3A {strides = array<i32>} : memref<4096xf32, #tpu.memory_space<vmem>>, vector<16xf32>,
      %scan3A_476 = arith.constant 0 : i32
      scf.yield %scan3A_476 : i32
    }
    %scan3A_122 = arith.constant 256 : i32
    %mul3A_123 = arith.constant 16 : i32
    %mul3A_124 = arith.muli %add3A_97, %mul3A_123 : i32
    %add3A_125 = arith.addi %mul3A_124, %arg1 : i32
    %dma_start3A_126 = arith.constant 0 : i32
    %dma_start3A_127 = tpu.memref_slice %arg5[%add3A_125, %dma_start3A_126] : memref<416x4096xf32, #tpu.memory_space<hbm>> -> memref<1x4096xf32, #tpu.memory_space<hbm>>
    %dma_start3A_128 = tpu.memref_squeeze %dma_start3A_127 : memref<1x4096xf32, #tpu.memory_space<hbm>> -> memref<4096xf32, #tpu.memory_space<hbm>>
    %dma_start3A_129 = arith.constant 0 : i32
    %dma_start3A_130 = tpu.memref_slice %arg5[%add3A_125, %dma_start3A_129] : memref<416x4096xf32, #tpu.memory_space<hbm>> -> memref<1x4096xf32, #tpu.memory_space<hbm>>
    %dma_start3A_131 = tpu.memref_squeeze %dma_start3A_130 : memref<1x4096xf32, #tpu.memory_space<hbm>> -> memref<4096xf32, #tpu.memory_space<hbm>>
    tpu.enqueue_dma source(%arg10 : memref<4096xf32, #tpu.memory_space<vmem>>) target(%dma_start3A_131 : memref<4096xf32, #tpu.memory_space<hbm>>) target_semaphore(%arg13 : memref<!tpu.dma_semaphore, #tpu.memory_space<semaphore_mem>>)
    %add3A_132 = arith.constant 8 : i32
    %add3A_133 = arith.addi %add3A_132, %arg0 : i32
    %dma_start3A_134 = arith.constant 0 : i32
    %dma_start3A_135 = tpu.memref_slice %arg2[%add3A_133, %arg1, %dma_start3A_134] : memref<26x16x100000xf32, #tpu.memory_space<hbm>> -> memref<1x1x100000xf32, #tpu.memory_space<hbm>>
    %dma_start3A_136 = tpu.memref_squeeze %dma_start3A_135 : memref<1x1x100000xf32, #tpu.memory_space<hbm>> -> memref<100000xf32, #tpu.memory_space<hbm>>
    %dma_start3A_137 = arith.constant 0 : i32
    %dma_start3A_138 = tpu.memref_slice %arg2[%add3A_133, %arg1, %dma_start3A_137] : memref<26x16x100000xf32, #tpu.memory_space<hbm>> -> memref<1x1x100000xf32, #tpu.memory_space<hbm>>
    %dma_start3A_139 = tpu.memref_squeeze %dma_start3A_138 : memref<1x1x100000xf32, #tpu.memory_space<hbm>> -> memref<100000xf32, #tpu.memory_space<hbm>>
    tpu.enqueue_dma source(%dma_start3A_139 : memref<100000xf32, #tpu.memory_space<hbm>>) target(%arg7 : memref<100000xf32, #tpu.memory_space<vmem>>) target_semaphore(%arg11 : memref<!tpu.dma_semaphore, #tpu.memory_space<semaphore_mem>>)
    "tpu.region"() ({
      %run_scoped3A = tpu.sem_alloc : memref<!tpu.dma_semaphore, #tpu.memory_space<semaphore_mem>>
      %dma_start3A_468 = arith.constant 0 : i32
      %dma_start3A_469 = tpu.memref_slice %arg4[%add3A_133, %dma_start3A_468] : memref<26x4096xi32, #tpu.memory_space<hbm>> -> memref<1x4096xi32, #tpu.memory_space<hbm>>
      %dma_start3A_470 = tpu.memref_squeeze %dma_start3A_469 : memref<1x4096xi32, #tpu.memory_space<hbm>> -> memref<4096xi32, #tpu.memory_space<hbm>>
      %dma_start3A_471 = arith.constant 0 : i32
      %dma_start3A_472 = tpu.memref_slice %arg4[%add3A_133, %dma_start3A_471] : memref<26x4096xi32, #tpu.memory_space<hbm>> -> memref<1x4096xi32, #tpu.memory_space<hbm>>
      %dma_start3A_473 = tpu.memref_squeeze %dma_start3A_472 : memref<1x4096xi32, #tpu.memory_space<hbm>> -> memref<4096xi32, #tpu.memory_space<hbm>>
      tpu.enqueue_dma source(%dma_start3A_473 : memref<4096xi32, #tpu.memory_space<hbm>>) target(%arg8 : memref<4096xi32, #tpu.memory_space<vmem>>) target_semaphore(%run_scoped3A : memref<!tpu.dma_semaphore, #tpu.memory_space<semaphore_mem>>)
      %dma_wait3A_474 = arith.constant 0 : i32
      %dma_wait3A_475 = tpu.memref_slice %arg4[%add3A_133, %dma_wait3A_474] : memref<26x4096xi32, #tpu.memory_space<hbm>> -> memref<1x4096xi32, #tpu.memory_space<hbm>>
      %dma_wait3A_476 = tpu.memref_squeeze %dma_wait3A_475 : memref<1x4096xi32, #tpu.memory_space<hbm>> -> memref<4096xi32, #tpu.memory_space<hbm>>
      %dma_wait3A_477 = arith.constant 0 : i32
      %dma_wait3A_478 = tpu.memref_slice %arg4[%add3A_133, %dma_wait3A_477] : memref<26x4096xi32, #tpu.memory_space<hbm>> -> memref<1x4096xi32, #tpu.memory_space<hbm>>
      %dma_wait3A_479 = tpu.memref_squeeze %dma_wait3A_478 : memref<1x4096xi32, #tpu.memory_space<hbm>> -> memref<4096xi32, #tpu.memory_space<hbm>>
      tpu.wait_dma2 semaphore(%run_scoped3A : memref<!tpu.dma_semaphore, #tpu.memory_space<semaphore_mem>>) src(%dma_wait3A_479 : memref<4096xi32, #tpu.memory_space<hbm>>) dst(%arg8 : memref<4096xi32, #tpu.memory_space<vmem>>)
      tpu.yield
    }) : () -> ()
    %dma_wait3A_140 = arith.constant 0 : i32
    %dma_wait3A_141 = tpu.memref_slice %arg5[%add3A_89, %dma_wait3A_140] : memref<416x4096xf32, #tpu.memory_space<hbm>> -> memref<1x4096xf32, #tpu.memory_space<hbm>>
    %dma_wait3A_142 = tpu.memref_squeeze %dma_wait3A_141 : memref<1x4096xf32, #tpu.memory_space<hbm>> -> memref<4096xf32, #tpu.memory_space<hbm>>
    %dma_wait3A_143 = arith.constant 0 : i32
    %dma_wait3A_144 = tpu.memref_slice %arg5[%add3A_89, %dma_wait3A_143] : memref<416x4096xf32, #tpu.memory_space<hbm>> -> memref<1x4096xf32, #tpu.memory_space<hbm>>
    %dma_wait3A_145 = tpu.memref_squeeze %dma_wait3A_144 : memref<1x4096xf32, #tpu.memory_space<hbm>> -> memref<4096xf32, #tpu.memory_space<hbm>>
    tpu.wait_dma2 semaphore(%arg12 : memref<!tpu.dma_semaphore, #tpu.memory_space<semaphore_mem>>) src(%arg9 : memref<4096xf32, #tpu.memory_space<vmem>>) dst(%dma_wait3A_145 : memref<4096xf32, #tpu.memory_space<hbm>>)
    %dma_wait3A_146 = arith.constant 0 : i32
    %dma_wait3A_147 = tpu.memref_slice %arg2[%add3A_133, %arg1, %dma_wait3A_146] : memref<26x16x100000xf32, #tpu.memory_space<hbm>> -> memref<1x1x100000xf32, #tpu.memory_space<hbm>>
    %dma_wait3A_148 = tpu.memref_squeeze %dma_wait3A_147 : memref<1x1x100000xf32, #tpu.memory_space<hbm>> -> memref<100000xf32, #tpu.memory_space<hbm>>
    %dma_wait3A_149 = arith.constant 0 : i32
    %dma_wait3A_150 = tpu.memref_slice %arg2[%add3A_133, %arg1, %dma_wait3A_149] : memref<26x16x100000xf32, #tpu.memory_space<hbm>> -> memref<1x1x100000xf32, #tpu.memory_space<hbm>>
    %dma_wait3A_151 = tpu.memref_squeeze %dma_wait3A_150 : memref<1x1x100000xf32, #tpu.memory_space<hbm>> -> memref<100000xf32, #tpu.memory_space<hbm>>
    tpu.wait_dma2 semaphore(%arg11 : memref<!tpu.dma_semaphore, #tpu.memory_space<semaphore_mem>>) src(%dma_wait3A_151 : memref<100000xf32, #tpu.memory_space<hbm>>) dst(%arg7 : memref<100000xf32, #tpu.memory_space<vmem>>)
    %scan3A_152 = arith.constant 0 : i32
    %scan3A_153 = arith.constant 0 : i32
    %scan3A_154 = arith.constant 256 : i32
    %scan3A_155 = arith.addi %scan3A_153, %scan3A_154 : i32
    %scan3A_156 = arith.constant 1 : i32
    %scan3A_157 = scf.for %scan3A_468 = %scan3A_153 to %scan3A_155 step %scan3A_156 iter_args(%scan3A_469 = %scan3A_152) -> (i32)  : i32 {
      %mul3A_470 = arith.constant 16 : i32
      %mul3A_471 = arith.muli %scan3A_468, %mul3A_470 : i32
      %get3A = arith.index_cast %mul3A_471 : i32 to index
      %get3A_472 = tpu.vector_load %arg8[%get3A] {strides = array<i32>} : memref<4096xi32, #tpu.memory_space<vmem>>, vector<16xi32>,
      %gather3A = tpu.vector_load_idx %arg7[%get3A_472] : memref<100000xf32, #tpu.memory_space<vmem>>[vector<16xi32>], vector<16xf32>,
      %mul3A_473 = arith.constant 16 : i32
      %mul3A_474 = arith.muli %scan3A_468, %mul3A_473 : i32
      %swap3A = arith.index_cast %mul3A_474 : i32 to index
      %swap3A_475 = tpu.vector_load %arg9[%swap3A] {strides = array<i32>} : memref<4096xf32, #tpu.memory_space<vmem>>, vector<16xf32>,
      tpu.vector_store %arg9[%swap3A], %gather3A {strides = array<i32>} : memref<4096xf32, #tpu.memory_space<vmem>>, vector<16xf32>,
      %scan3A_476 = arith.constant 0 : i32
      scf.yield %scan3A_476 : i32
    }
    %scan3A_158 = arith.constant 256 : i32
    %mul3A_159 = arith.constant 16 : i32
    %mul3A_160 = arith.muli %add3A_133, %mul3A_159 : i32
    %add3A_161 = arith.addi %mul3A_160, %arg1 : i32
    %dma_start3A_162 = arith.constant 0 : i32
    %dma_start3A_163 = tpu.memref_slice %arg5[%add3A_161, %dma_start3A_162] : memref<416x4096xf32, #tpu.memory_space<hbm>> -> memref<1x4096xf32, #tpu.memory_space<hbm>>
    %dma_start3A_164 = tpu.memref_squeeze %dma_start3A_163 : memref<1x4096xf32, #tpu.memory_space<hbm>> -> memref<4096xf32, #tpu.memory_space<hbm>>
    %dma_start3A_165 = arith.constant 0 : i32
    %dma_start3A_166 = tpu.memref_slice %arg5[%add3A_161, %dma_start3A_165] : memref<416x4096xf32, #tpu.memory_space<hbm>> -> memref<1x4096xf32, #tpu.memory_space<hbm>>
    %dma_start3A_167 = tpu.memref_squeeze %dma_start3A_166 : memref<1x4096xf32, #tpu.memory_space<hbm>> -> memref<4096xf32, #tpu.memory_space<hbm>>
    tpu.enqueue_dma source(%arg9 : memref<4096xf32, #tpu.memory_space<vmem>>) target(%dma_start3A_167 : memref<4096xf32, #tpu.memory_space<hbm>>) target_semaphore(%arg12 : memref<!tpu.dma_semaphore, #tpu.memory_space<semaphore_mem>>)
    %add3A_168 = arith.constant 10 : i32
    %add3A_169 = arith.addi %add3A_168, %arg0 : i32
    %dma_start3A_170 = arith.constant 0 : i32
    %dma_start3A_171 = tpu.memref_slice %arg2[%add3A_169, %arg1, %dma_start3A_170] : memref<26x16x100000xf32, #tpu.memory_space<hbm>> -> memref<1x1x100000xf32, #tpu.memory_space<hbm>>
    %dma_start3A_172 = tpu.memref_squeeze %dma_start3A_171 : memref<1x1x100000xf32, #tpu.memory_space<hbm>> -> memref<100000xf32, #tpu.memory_space<hbm>>
    %dma_start3A_173 = arith.constant 0 : i32
    %dma_start3A_174 = tpu.memref_slice %arg2[%add3A_169, %arg1, %dma_start3A_173] : memref<26x16x100000xf32, #tpu.memory_space<hbm>> -> memref<1x1x100000xf32, #tpu.memory_space<hbm>>
    %dma_start3A_175 = tpu.memref_squeeze %dma_start3A_174 : memref<1x1x100000xf32, #tpu.memory_space<hbm>> -> memref<100000xf32, #tpu.memory_space<hbm>>
    tpu.enqueue_dma source(%dma_start3A_175 : memref<100000xf32, #tpu.memory_space<hbm>>) target(%arg7 : memref<100000xf32, #tpu.memory_space<vmem>>) target_semaphore(%arg11 : memref<!tpu.dma_semaphore, #tpu.memory_space<semaphore_mem>>)
    "tpu.region"() ({
      %run_scoped3A = tpu.sem_alloc : memref<!tpu.dma_semaphore, #tpu.memory_space<semaphore_mem>>
      %dma_start3A_468 = arith.constant 0 : i32
      %dma_start3A_469 = tpu.memref_slice %arg4[%add3A_169, %dma_start3A_468] : memref<26x4096xi32, #tpu.memory_space<hbm>> -> memref<1x4096xi32, #tpu.memory_space<hbm>>
      %dma_start3A_470 = tpu.memref_squeeze %dma_start3A_469 : memref<1x4096xi32, #tpu.memory_space<hbm>> -> memref<4096xi32, #tpu.memory_space<hbm>>
      %dma_start3A_471 = arith.constant 0 : i32
      %dma_start3A_472 = tpu.memref_slice %arg4[%add3A_169, %dma_start3A_471] : memref<26x4096xi32, #tpu.memory_space<hbm>> -> memref<1x4096xi32, #tpu.memory_space<hbm>>
      %dma_start3A_473 = tpu.memref_squeeze %dma_start3A_472 : memref<1x4096xi32, #tpu.memory_space<hbm>> -> memref<4096xi32, #tpu.memory_space<hbm>>
      tpu.enqueue_dma source(%dma_start3A_473 : memref<4096xi32, #tpu.memory_space<hbm>>) target(%arg8 : memref<4096xi32, #tpu.memory_space<vmem>>) target_semaphore(%run_scoped3A : memref<!tpu.dma_semaphore, #tpu.memory_space<semaphore_mem>>)
      %dma_wait3A_474 = arith.constant 0 : i32
      %dma_wait3A_475 = tpu.memref_slice %arg4[%add3A_169, %dma_wait3A_474] : memref<26x4096xi32, #tpu.memory_space<hbm>> -> memref<1x4096xi32, #tpu.memory_space<hbm>>
      %dma_wait3A_476 = tpu.memref_squeeze %dma_wait3A_475 : memref<1x4096xi32, #tpu.memory_space<hbm>> -> memref<4096xi32, #tpu.memory_space<hbm>>
      %dma_wait3A_477 = arith.constant 0 : i32
      %dma_wait3A_478 = tpu.memref_slice %arg4[%add3A_169, %dma_wait3A_477] : memref<26x4096xi32, #tpu.memory_space<hbm>> -> memref<1x4096xi32, #tpu.memory_space<hbm>>
      %dma_wait3A_479 = tpu.memref_squeeze %dma_wait3A_478 : memref<1x4096xi32, #tpu.memory_space<hbm>> -> memref<4096xi32, #tpu.memory_space<hbm>>
      tpu.wait_dma2 semaphore(%run_scoped3A : memref<!tpu.dma_semaphore, #tpu.memory_space<semaphore_mem>>) src(%dma_wait3A_479 : memref<4096xi32, #tpu.memory_space<hbm>>) dst(%arg8 : memref<4096xi32, #tpu.memory_space<vmem>>)
      tpu.yield
    }) : () -> ()
    %dma_wait3A_176 = arith.constant 0 : i32
    %dma_wait3A_177 = tpu.memref_slice %arg5[%add3A_125, %dma_wait3A_176] : memref<416x4096xf32, #tpu.memory_space<hbm>> -> memref<1x4096xf32, #tpu.memory_space<hbm>>
    %dma_wait3A_178 = tpu.memref_squeeze %dma_wait3A_177 : memref<1x4096xf32, #tpu.memory_space<hbm>> -> memref<4096xf32, #tpu.memory_space<hbm>>
    %dma_wait3A_179 = arith.constant 0 : i32
    %dma_wait3A_180 = tpu.memref_slice %arg5[%add3A_125, %dma_wait3A_179] : memref<416x4096xf32, #tpu.memory_space<hbm>> -> memref<1x4096xf32, #tpu.memory_space<hbm>>
    %dma_wait3A_181 = tpu.memref_squeeze %dma_wait3A_180 : memref<1x4096xf32, #tpu.memory_space<hbm>> -> memref<4096xf32, #tpu.memory_space<hbm>>
    tpu.wait_dma2 semaphore(%arg13 : memref<!tpu.dma_semaphore, #tpu.memory_space<semaphore_mem>>) src(%arg10 : memref<4096xf32, #tpu.memory_space<vmem>>) dst(%dma_wait3A_181 : memref<4096xf32, #tpu.memory_space<hbm>>)
    %dma_wait3A_182 = arith.constant 0 : i32
    %dma_wait3A_183 = tpu.memref_slice %arg2[%add3A_169, %arg1, %dma_wait3A_182] : memref<26x16x100000xf32, #tpu.memory_space<hbm>> -> memref<1x1x100000xf32, #tpu.memory_space<hbm>>
    %dma_wait3A_184 = tpu.memref_squeeze %dma_wait3A_183 : memref<1x1x100000xf32, #tpu.memory_space<hbm>> -> memref<100000xf32, #tpu.memory_space<hbm>>
    %dma_wait3A_185 = arith.constant 0 : i32
    %dma_wait3A_186 = tpu.memref_slice %arg2[%add3A_169, %arg1, %dma_wait3A_185] : memref<26x16x100000xf32, #tpu.memory_space<hbm>> -> memref<1x1x100000xf32, #tpu.memory_space<hbm>>
    %dma_wait3A_187 = tpu.memref_squeeze %dma_wait3A_186 : memref<1x1x100000xf32, #tpu.memory_space<hbm>> -> memref<100000xf32, #tpu.memory_space<hbm>>
    tpu.wait_dma2 semaphore(%arg11 : memref<!tpu.dma_semaphore, #tpu.memory_space<semaphore_mem>>) src(%dma_wait3A_187 : memref<100000xf32, #tpu.memory_space<hbm>>) dst(%arg7 : memref<100000xf32, #tpu.memory_space<vmem>>)
    %scan3A_188 = arith.constant 0 : i32
    %scan3A_189 = arith.constant 0 : i32
    %scan3A_190 = arith.constant 256 : i32
    %scan3A_191 = arith.addi %scan3A_189, %scan3A_190 : i32
    %scan3A_192 = arith.constant 1 : i32
    %scan3A_193 = scf.for %scan3A_468 = %scan3A_189 to %scan3A_191 step %scan3A_192 iter_args(%scan3A_469 = %scan3A_188) -> (i32)  : i32 {
      %mul3A_470 = arith.constant 16 : i32
      %mul3A_471 = arith.muli %scan3A_468, %mul3A_470 : i32
      %get3A = arith.index_cast %mul3A_471 : i32 to index
      %get3A_472 = tpu.vector_load %arg8[%get3A] {strides = array<i32>} : memref<4096xi32, #tpu.memory_space<vmem>>, vector<16xi32>,
      %gather3A = tpu.vector_load_idx %arg7[%get3A_472] : memref<100000xf32, #tpu.memory_space<vmem>>[vector<16xi32>], vector<16xf32>,
      %mul3A_473 = arith.constant 16 : i32
      %mul3A_474 = arith.muli %scan3A_468, %mul3A_473 : i32
      %swap3A = arith.index_cast %mul3A_474 : i32 to index
      %swap3A_475 = tpu.vector_load %arg10[%swap3A] {strides = array<i32>} : memref<4096xf32, #tpu.memory_space<vmem>>, vector<16xf32>,
      tpu.vector_store %arg10[%swap3A], %gather3A {strides = array<i32>} : memref<4096xf32, #tpu.memory_space<vmem>>, vector<16xf32>,
      %scan3A_476 = arith.constant 0 : i32
      scf.yield %scan3A_476 : i32
    }
    %scan3A_194 = arith.constant 256 : i32
    %mul3A_195 = arith.constant 16 : i32
    %mul3A_196 = arith.muli %add3A_169, %mul3A_195 : i32
    %add3A_197 = arith.addi %mul3A_196, %arg1 : i32
    %dma_start3A_198 = arith.constant 0 : i32
    %dma_start3A_199 = tpu.memref_slice %arg5[%add3A_197, %dma_start3A_198] : memref<416x4096xf32, #tpu.memory_space<hbm>> -> memref<1x4096xf32, #tpu.memory_space<hbm>>
    %dma_start3A_200 = tpu.memref_squeeze %dma_start3A_199 : memref<1x4096xf32, #tpu.memory_space<hbm>> -> memref<4096xf32, #tpu.memory_space<hbm>>
    %dma_start3A_201 = arith.constant 0 : i32
    %dma_start3A_202 = tpu.memref_slice %arg5[%add3A_197, %dma_start3A_201] : memref<416x4096xf32, #tpu.memory_space<hbm>> -> memref<1x4096xf32, #tpu.memory_space<hbm>>
    %dma_start3A_203 = tpu.memref_squeeze %dma_start3A_202 : memref<1x4096xf32, #tpu.memory_space<hbm>> -> memref<4096xf32, #tpu.memory_space<hbm>>
    tpu.enqueue_dma source(%arg10 : memref<4096xf32, #tpu.memory_space<vmem>>) target(%dma_start3A_203 : memref<4096xf32, #tpu.memory_space<hbm>>) target_semaphore(%arg13 : memref<!tpu.dma_semaphore, #tpu.memory_space<semaphore_mem>>)
    %add3A_204 = arith.constant 12 : i32
    %add3A_205 = arith.addi %add3A_204, %arg0 : i32
    %dma_start3A_206 = arith.constant 0 : i32
    %dma_start3A_207 = tpu.memref_slice %arg2[%add3A_205, %arg1, %dma_start3A_206] : memref<26x16x100000xf32, #tpu.memory_space<hbm>> -> memref<1x1x100000xf32, #tpu.memory_space<hbm>>
    %dma_start3A_208 = tpu.memref_squeeze %dma_start3A_207 : memref<1x1x100000xf32, #tpu.memory_space<hbm>> -> memref<100000xf32, #tpu.memory_space<hbm>>
    %dma_start3A_209 = arith.constant 0 : i32
    %dma_start3A_210 = tpu.memref_slice %arg2[%add3A_205, %arg1, %dma_start3A_209] : memref<26x16x100000xf32, #tpu.memory_space<hbm>> -> memref<1x1x100000xf32, #tpu.memory_space<hbm>>
    %dma_start3A_211 = tpu.memref_squeeze %dma_start3A_210 : memref<1x1x100000xf32, #tpu.memory_space<hbm>> -> memref<100000xf32, #tpu.memory_space<hbm>>
    tpu.enqueue_dma source(%dma_start3A_211 : memref<100000xf32, #tpu.memory_space<hbm>>) target(%arg7 : memref<100000xf32, #tpu.memory_space<vmem>>) target_semaphore(%arg11 : memref<!tpu.dma_semaphore, #tpu.memory_space<semaphore_mem>>)
    "tpu.region"() ({
      %run_scoped3A = tpu.sem_alloc : memref<!tpu.dma_semaphore, #tpu.memory_space<semaphore_mem>>
      %dma_start3A_468 = arith.constant 0 : i32
      %dma_start3A_469 = tpu.memref_slice %arg4[%add3A_205, %dma_start3A_468] : memref<26x4096xi32, #tpu.memory_space<hbm>> -> memref<1x4096xi32, #tpu.memory_space<hbm>>
      %dma_start3A_470 = tpu.memref_squeeze %dma_start3A_469 : memref<1x4096xi32, #tpu.memory_space<hbm>> -> memref<4096xi32, #tpu.memory_space<hbm>>
      %dma_start3A_471 = arith.constant 0 : i32
      %dma_start3A_472 = tpu.memref_slice %arg4[%add3A_205, %dma_start3A_471] : memref<26x4096xi32, #tpu.memory_space<hbm>> -> memref<1x4096xi32, #tpu.memory_space<hbm>>
      %dma_start3A_473 = tpu.memref_squeeze %dma_start3A_472 : memref<1x4096xi32, #tpu.memory_space<hbm>> -> memref<4096xi32, #tpu.memory_space<hbm>>
      tpu.enqueue_dma source(%dma_start3A_473 : memref<4096xi32, #tpu.memory_space<hbm>>) target(%arg8 : memref<4096xi32, #tpu.memory_space<vmem>>) target_semaphore(%run_scoped3A : memref<!tpu.dma_semaphore, #tpu.memory_space<semaphore_mem>>)
      %dma_wait3A_474 = arith.constant 0 : i32
      %dma_wait3A_475 = tpu.memref_slice %arg4[%add3A_205, %dma_wait3A_474] : memref<26x4096xi32, #tpu.memory_space<hbm>> -> memref<1x4096xi32, #tpu.memory_space<hbm>>
      %dma_wait3A_476 = tpu.memref_squeeze %dma_wait3A_475 : memref<1x4096xi32, #tpu.memory_space<hbm>> -> memref<4096xi32, #tpu.memory_space<hbm>>
      %dma_wait3A_477 = arith.constant 0 : i32
      %dma_wait3A_478 = tpu.memref_slice %arg4[%add3A_205, %dma_wait3A_477] : memref<26x4096xi32, #tpu.memory_space<hbm>> -> memref<1x4096xi32, #tpu.memory_space<hbm>>
      %dma_wait3A_479 = tpu.memref_squeeze %dma_wait3A_478 : memref<1x4096xi32, #tpu.memory_space<hbm>> -> memref<4096xi32, #tpu.memory_space<hbm>>
      tpu.wait_dma2 semaphore(%run_scoped3A : memref<!tpu.dma_semaphore, #tpu.memory_space<semaphore_mem>>) src(%dma_wait3A_479 : memref<4096xi32, #tpu.memory_space<hbm>>) dst(%arg8 : memref<4096xi32, #tpu.memory_space<vmem>>)
      tpu.yield
    }) : () -> ()
    %dma_wait3A_212 = arith.constant 0 : i32
    %dma_wait3A_213 = tpu.memref_slice %arg5[%add3A_161, %dma_wait3A_212] : memref<416x4096xf32, #tpu.memory_space<hbm>> -> memref<1x4096xf32, #tpu.memory_space<hbm>>
    %dma_wait3A_214 = tpu.memref_squeeze %dma_wait3A_213 : memref<1x4096xf32, #tpu.memory_space<hbm>> -> memref<4096xf32, #tpu.memory_space<hbm>>
    %dma_wait3A_215 = arith.constant 0 : i32
    %dma_wait3A_216 = tpu.memref_slice %arg5[%add3A_161, %dma_wait3A_215] : memref<416x4096xf32, #tpu.memory_space<hbm>> -> memref<1x4096xf32, #tpu.memory_space<hbm>>
    %dma_wait3A_217 = tpu.memref_squeeze %dma_wait3A_216 : memref<1x4096xf32, #tpu.memory_space<hbm>> -> memref<4096xf32, #tpu.memory_space<hbm>>
    tpu.wait_dma2 semaphore(%arg12 : memref<!tpu.dma_semaphore, #tpu.memory_space<semaphore_mem>>) src(%arg9 : memref<4096xf32, #tpu.memory_space<vmem>>) dst(%dma_wait3A_217 : memref<4096xf32, #tpu.memory_space<hbm>>)
    %dma_wait3A_218 = arith.constant 0 : i32
    %dma_wait3A_219 = tpu.memref_slice %arg2[%add3A_205, %arg1, %dma_wait3A_218] : memref<26x16x100000xf32, #tpu.memory_space<hbm>> -> memref<1x1x100000xf32, #tpu.memory_space<hbm>>
    %dma_wait3A_220 = tpu.memref_squeeze %dma_wait3A_219 : memref<1x1x100000xf32, #tpu.memory_space<hbm>> -> memref<100000xf32, #tpu.memory_space<hbm>>
    %dma_wait3A_221 = arith.constant 0 : i32
    %dma_wait3A_222 = tpu.memref_slice %arg2[%add3A_205, %arg1, %dma_wait3A_221] : memref<26x16x100000xf32, #tpu.memory_space<hbm>> -> memref<1x1x100000xf32, #tpu.memory_space<hbm>>
    %dma_wait3A_223 = tpu.memref_squeeze %dma_wait3A_222 : memref<1x1x100000xf32, #tpu.memory_space<hbm>> -> memref<100000xf32, #tpu.memory_space<hbm>>
    tpu.wait_dma2 semaphore(%arg11 : memref<!tpu.dma_semaphore, #tpu.memory_space<semaphore_mem>>) src(%dma_wait3A_223 : memref<100000xf32, #tpu.memory_space<hbm>>) dst(%arg7 : memref<100000xf32, #tpu.memory_space<vmem>>)
    %scan3A_224 = arith.constant 0 : i32
    %scan3A_225 = arith.constant 0 : i32
    %scan3A_226 = arith.constant 256 : i32
    %scan3A_227 = arith.addi %scan3A_225, %scan3A_226 : i32
    %scan3A_228 = arith.constant 1 : i32
    %scan3A_229 = scf.for %scan3A_468 = %scan3A_225 to %scan3A_227 step %scan3A_228 iter_args(%scan3A_469 = %scan3A_224) -> (i32)  : i32 {
      %mul3A_470 = arith.constant 16 : i32
      %mul3A_471 = arith.muli %scan3A_468, %mul3A_470 : i32
      %get3A = arith.index_cast %mul3A_471 : i32 to index
      %get3A_472 = tpu.vector_load %arg8[%get3A] {strides = array<i32>} : memref<4096xi32, #tpu.memory_space<vmem>>, vector<16xi32>,
      %gather3A = tpu.vector_load_idx %arg7[%get3A_472] : memref<100000xf32, #tpu.memory_space<vmem>>[vector<16xi32>], vector<16xf32>,
      %mul3A_473 = arith.constant 16 : i32
      %mul3A_474 = arith.muli %scan3A_468, %mul3A_473 : i32
      %swap3A = arith.index_cast %mul3A_474 : i32 to index
      %swap3A_475 = tpu.vector_load %arg9[%swap3A] {strides = array<i32>} : memref<4096xf32, #tpu.memory_space<vmem>>, vector<16xf32>,
      tpu.vector_store %arg9[%swap3A], %gather3A {strides = array<i32>} : memref<4096xf32, #tpu.memory_space<vmem>>, vector<16xf32>,
      %scan3A_476 = arith.constant 0 : i32
      scf.yield %scan3A_476 : i32
    }
    %scan3A_230 = arith.constant 256 : i32
    %mul3A_231 = arith.constant 16 : i32
    %mul3A_232 = arith.muli %add3A_205, %mul3A_231 : i32
    %add3A_233 = arith.addi %mul3A_232, %arg1 : i32
    %dma_start3A_234 = arith.constant 0 : i32
    %dma_start3A_235 = tpu.memref_slice %arg5[%add3A_233, %dma_start3A_234] : memref<416x4096xf32, #tpu.memory_space<hbm>> -> memref<1x4096xf32, #tpu.memory_space<hbm>>
    %dma_start3A_236 = tpu.memref_squeeze %dma_start3A_235 : memref<1x4096xf32, #tpu.memory_space<hbm>> -> memref<4096xf32, #tpu.memory_space<hbm>>
    %dma_start3A_237 = arith.constant 0 : i32
    %dma_start3A_238 = tpu.memref_slice %arg5[%add3A_233, %dma_start3A_237] : memref<416x4096xf32, #tpu.memory_space<hbm>> -> memref<1x4096xf32, #tpu.memory_space<hbm>>
    %dma_start3A_239 = tpu.memref_squeeze %dma_start3A_238 : memref<1x4096xf32, #tpu.memory_space<hbm>> -> memref<4096xf32, #tpu.memory_space<hbm>>
    tpu.enqueue_dma source(%arg9 : memref<4096xf32, #tpu.memory_space<vmem>>) target(%dma_start3A_239 : memref<4096xf32, #tpu.memory_space<hbm>>) target_semaphore(%arg12 : memref<!tpu.dma_semaphore, #tpu.memory_space<semaphore_mem>>)
    %add3A_240 = arith.constant 14 : i32
    %add3A_241 = arith.addi %add3A_240, %arg0 : i32
    %dma_start3A_242 = arith.constant 0 : i32
    %dma_start3A_243 = tpu.memref_slice %arg2[%add3A_241, %arg1, %dma_start3A_242] : memref<26x16x100000xf32, #tpu.memory_space<hbm>> -> memref<1x1x100000xf32, #tpu.memory_space<hbm>>
    %dma_start3A_244 = tpu.memref_squeeze %dma_start3A_243 : memref<1x1x100000xf32, #tpu.memory_space<hbm>> -> memref<100000xf32, #tpu.memory_space<hbm>>
    %dma_start3A_245 = arith.constant 0 : i32
    %dma_start3A_246 = tpu.memref_slice %arg2[%add3A_241, %arg1, %dma_start3A_245] : memref<26x16x100000xf32, #tpu.memory_space<hbm>> -> memref<1x1x100000xf32, #tpu.memory_space<hbm>>
    %dma_start3A_247 = tpu.memref_squeeze %dma_start3A_246 : memref<1x1x100000xf32, #tpu.memory_space<hbm>> -> memref<100000xf32, #tpu.memory_space<hbm>>
    tpu.enqueue_dma source(%dma_start3A_247 : memref<100000xf32, #tpu.memory_space<hbm>>) target(%arg7 : memref<100000xf32, #tpu.memory_space<vmem>>) target_semaphore(%arg11 : memref<!tpu.dma_semaphore, #tpu.memory_space<semaphore_mem>>)
    "tpu.region"() ({
      %run_scoped3A = tpu.sem_alloc : memref<!tpu.dma_semaphore, #tpu.memory_space<semaphore_mem>>
      %dma_start3A_468 = arith.constant 0 : i32
      %dma_start3A_469 = tpu.memref_slice %arg4[%add3A_241, %dma_start3A_468] : memref<26x4096xi32, #tpu.memory_space<hbm>> -> memref<1x4096xi32, #tpu.memory_space<hbm>>
      %dma_start3A_470 = tpu.memref_squeeze %dma_start3A_469 : memref<1x4096xi32, #tpu.memory_space<hbm>> -> memref<4096xi32, #tpu.memory_space<hbm>>
      %dma_start3A_471 = arith.constant 0 : i32
      %dma_start3A_472 = tpu.memref_slice %arg4[%add3A_241, %dma_start3A_471] : memref<26x4096xi32, #tpu.memory_space<hbm>> -> memref<1x4096xi32, #tpu.memory_space<hbm>>
      %dma_start3A_473 = tpu.memref_squeeze %dma_start3A_472 : memref<1x4096xi32, #tpu.memory_space<hbm>> -> memref<4096xi32, #tpu.memory_space<hbm>>
      tpu.enqueue_dma source(%dma_start3A_473 : memref<4096xi32, #tpu.memory_space<hbm>>) target(%arg8 : memref<4096xi32, #tpu.memory_space<vmem>>) target_semaphore(%run_scoped3A : memref<!tpu.dma_semaphore, #tpu.memory_space<semaphore_mem>>)
      %dma_wait3A_474 = arith.constant 0 : i32
      %dma_wait3A_475 = tpu.memref_slice %arg4[%add3A_241, %dma_wait3A_474] : memref<26x4096xi32, #tpu.memory_space<hbm>> -> memref<1x4096xi32, #tpu.memory_space<hbm>>
      %dma_wait3A_476 = tpu.memref_squeeze %dma_wait3A_475 : memref<1x4096xi32, #tpu.memory_space<hbm>> -> memref<4096xi32, #tpu.memory_space<hbm>>
      %dma_wait3A_477 = arith.constant 0 : i32
      %dma_wait3A_478 = tpu.memref_slice %arg4[%add3A_241, %dma_wait3A_477] : memref<26x4096xi32, #tpu.memory_space<hbm>> -> memref<1x4096xi32, #tpu.memory_space<hbm>>
      %dma_wait3A_479 = tpu.memref_squeeze %dma_wait3A_478 : memref<1x4096xi32, #tpu.memory_space<hbm>> -> memref<4096xi32, #tpu.memory_space<hbm>>
      tpu.wait_dma2 semaphore(%run_scoped3A : memref<!tpu.dma_semaphore, #tpu.memory_space<semaphore_mem>>) src(%dma_wait3A_479 : memref<4096xi32, #tpu.memory_space<hbm>>) dst(%arg8 : memref<4096xi32, #tpu.memory_space<vmem>>)
      tpu.yield
    }) : () -> ()
    %dma_wait3A_248 = arith.constant 0 : i32
    %dma_wait3A_249 = tpu.memref_slice %arg5[%add3A_197, %dma_wait3A_248] : memref<416x4096xf32, #tpu.memory_space<hbm>> -> memref<1x4096xf32, #tpu.memory_space<hbm>>
    %dma_wait3A_250 = tpu.memref_squeeze %dma_wait3A_249 : memref<1x4096xf32, #tpu.memory_space<hbm>> -> memref<4096xf32, #tpu.memory_space<hbm>>
    %dma_wait3A_251 = arith.constant 0 : i32
    %dma_wait3A_252 = tpu.memref_slice %arg5[%add3A_197, %dma_wait3A_251] : memref<416x4096xf32, #tpu.memory_space<hbm>> -> memref<1x4096xf32, #tpu.memory_space<hbm>>
    %dma_wait3A_253 = tpu.memref_squeeze %dma_wait3A_252 : memref<1x4096xf32, #tpu.memory_space<hbm>> -> memref<4096xf32, #tpu.memory_space<hbm>>
    tpu.wait_dma2 semaphore(%arg13 : memref<!tpu.dma_semaphore, #tpu.memory_space<semaphore_mem>>) src(%arg10 : memref<4096xf32, #tpu.memory_space<vmem>>) dst(%dma_wait3A_253 : memref<4096xf32, #tpu.memory_space<hbm>>)
    %dma_wait3A_254 = arith.constant 0 : i32
    %dma_wait3A_255 = tpu.memref_slice %arg2[%add3A_241, %arg1, %dma_wait3A_254] : memref<26x16x100000xf32, #tpu.memory_space<hbm>> -> memref<1x1x100000xf32, #tpu.memory_space<hbm>>
    %dma_wait3A_256 = tpu.memref_squeeze %dma_wait3A_255 : memref<1x1x100000xf32, #tpu.memory_space<hbm>> -> memref<100000xf32, #tpu.memory_space<hbm>>
    %dma_wait3A_257 = arith.constant 0 : i32
    %dma_wait3A_258 = tpu.memref_slice %arg2[%add3A_241, %arg1, %dma_wait3A_257] : memref<26x16x100000xf32, #tpu.memory_space<hbm>> -> memref<1x1x100000xf32, #tpu.memory_space<hbm>>
    %dma_wait3A_259 = tpu.memref_squeeze %dma_wait3A_258 : memref<1x1x100000xf32, #tpu.memory_space<hbm>> -> memref<100000xf32, #tpu.memory_space<hbm>>
    tpu.wait_dma2 semaphore(%arg11 : memref<!tpu.dma_semaphore, #tpu.memory_space<semaphore_mem>>) src(%dma_wait3A_259 : memref<100000xf32, #tpu.memory_space<hbm>>) dst(%arg7 : memref<100000xf32, #tpu.memory_space<vmem>>)
    %scan3A_260 = arith.constant 0 : i32
    %scan3A_261 = arith.constant 0 : i32
    %scan3A_262 = arith.constant 256 : i32
    %scan3A_263 = arith.addi %scan3A_261, %scan3A_262 : i32
    %scan3A_264 = arith.constant 1 : i32
    %scan3A_265 = scf.for %scan3A_468 = %scan3A_261 to %scan3A_263 step %scan3A_264 iter_args(%scan3A_469 = %scan3A_260) -> (i32)  : i32 {
      %mul3A_470 = arith.constant 16 : i32
      %mul3A_471 = arith.muli %scan3A_468, %mul3A_470 : i32
      %get3A = arith.index_cast %mul3A_471 : i32 to index
      %get3A_472 = tpu.vector_load %arg8[%get3A] {strides = array<i32>} : memref<4096xi32, #tpu.memory_space<vmem>>, vector<16xi32>,
      %gather3A = tpu.vector_load_idx %arg7[%get3A_472] : memref<100000xf32, #tpu.memory_space<vmem>>[vector<16xi32>], vector<16xf32>,
      %mul3A_473 = arith.constant 16 : i32
      %mul3A_474 = arith.muli %scan3A_468, %mul3A_473 : i32
      %swap3A = arith.index_cast %mul3A_474 : i32 to index
      %swap3A_475 = tpu.vector_load %arg10[%swap3A] {strides = array<i32>} : memref<4096xf32, #tpu.memory_space<vmem>>, vector<16xf32>,
      tpu.vector_store %arg10[%swap3A], %gather3A {strides = array<i32>} : memref<4096xf32, #tpu.memory_space<vmem>>, vector<16xf32>,
      %scan3A_476 = arith.constant 0 : i32
      scf.yield %scan3A_476 : i32
    }
    %scan3A_266 = arith.constant 256 : i32
    %mul3A_267 = arith.constant 16 : i32
    %mul3A_268 = arith.muli %add3A_241, %mul3A_267 : i32
    %add3A_269 = arith.addi %mul3A_268, %arg1 : i32
    %dma_start3A_270 = arith.constant 0 : i32
    %dma_start3A_271 = tpu.memref_slice %arg5[%add3A_269, %dma_start3A_270] : memref<416x4096xf32, #tpu.memory_space<hbm>> -> memref<1x4096xf32, #tpu.memory_space<hbm>>
    %dma_start3A_272 = tpu.memref_squeeze %dma_start3A_271 : memref<1x4096xf32, #tpu.memory_space<hbm>> -> memref<4096xf32, #tpu.memory_space<hbm>>
    %dma_start3A_273 = arith.constant 0 : i32
    %dma_start3A_274 = tpu.memref_slice %arg5[%add3A_269, %dma_start3A_273] : memref<416x4096xf32, #tpu.memory_space<hbm>> -> memref<1x4096xf32, #tpu.memory_space<hbm>>
    %dma_start3A_275 = tpu.memref_squeeze %dma_start3A_274 : memref<1x4096xf32, #tpu.memory_space<hbm>> -> memref<4096xf32, #tpu.memory_space<hbm>>
    tpu.enqueue_dma source(%arg10 : memref<4096xf32, #tpu.memory_space<vmem>>) target(%dma_start3A_275 : memref<4096xf32, #tpu.memory_space<hbm>>) target_semaphore(%arg13 : memref<!tpu.dma_semaphore, #tpu.memory_space<semaphore_mem>>)
    %add3A_276 = arith.constant 16 : i32
    %add3A_277 = arith.addi %add3A_276, %arg0 : i32
    %dma_start3A_278 = arith.constant 0 : i32
    %dma_start3A_279 = tpu.memref_slice %arg2[%add3A_277, %arg1, %dma_start3A_278] : memref<26x16x100000xf32, #tpu.memory_space<hbm>> -> memref<1x1x100000xf32, #tpu.memory_space<hbm>>
    %dma_start3A_280 = tpu.memref_squeeze %dma_start3A_279 : memref<1x1x100000xf32, #tpu.memory_space<hbm>> -> memref<100000xf32, #tpu.memory_space<hbm>>
    %dma_start3A_281 = arith.constant 0 : i32
    %dma_start3A_282 = tpu.memref_slice %arg2[%add3A_277, %arg1, %dma_start3A_281] : memref<26x16x100000xf32, #tpu.memory_space<hbm>> -> memref<1x1x100000xf32, #tpu.memory_space<hbm>>
    %dma_start3A_283 = tpu.memref_squeeze %dma_start3A_282 : memref<1x1x100000xf32, #tpu.memory_space<hbm>> -> memref<100000xf32, #tpu.memory_space<hbm>>
    tpu.enqueue_dma source(%dma_start3A_283 : memref<100000xf32, #tpu.memory_space<hbm>>) target(%arg7 : memref<100000xf32, #tpu.memory_space<vmem>>) target_semaphore(%arg11 : memref<!tpu.dma_semaphore, #tpu.memory_space<semaphore_mem>>)
    "tpu.region"() ({
      %run_scoped3A = tpu.sem_alloc : memref<!tpu.dma_semaphore, #tpu.memory_space<semaphore_mem>>
      %dma_start3A_468 = arith.constant 0 : i32
      %dma_start3A_469 = tpu.memref_slice %arg4[%add3A_277, %dma_start3A_468] : memref<26x4096xi32, #tpu.memory_space<hbm>> -> memref<1x4096xi32, #tpu.memory_space<hbm>>
      %dma_start3A_470 = tpu.memref_squeeze %dma_start3A_469 : memref<1x4096xi32, #tpu.memory_space<hbm>> -> memref<4096xi32, #tpu.memory_space<hbm>>
      %dma_start3A_471 = arith.constant 0 : i32
      %dma_start3A_472 = tpu.memref_slice %arg4[%add3A_277, %dma_start3A_471] : memref<26x4096xi32, #tpu.memory_space<hbm>> -> memref<1x4096xi32, #tpu.memory_space<hbm>>
      %dma_start3A_473 = tpu.memref_squeeze %dma_start3A_472 : memref<1x4096xi32, #tpu.memory_space<hbm>> -> memref<4096xi32, #tpu.memory_space<hbm>>
      tpu.enqueue_dma source(%dma_start3A_473 : memref<4096xi32, #tpu.memory_space<hbm>>) target(%arg8 : memref<4096xi32, #tpu.memory_space<vmem>>) target_semaphore(%run_scoped3A : memref<!tpu.dma_semaphore, #tpu.memory_space<semaphore_mem>>)
      %dma_wait3A_474 = arith.constant 0 : i32
      %dma_wait3A_475 = tpu.memref_slice %arg4[%add3A_277, %dma_wait3A_474] : memref<26x4096xi32, #tpu.memory_space<hbm>> -> memref<1x4096xi32, #tpu.memory_space<hbm>>
      %dma_wait3A_476 = tpu.memref_squeeze %dma_wait3A_475 : memref<1x4096xi32, #tpu.memory_space<hbm>> -> memref<4096xi32, #tpu.memory_space<hbm>>
      %dma_wait3A_477 = arith.constant 0 : i32
      %dma_wait3A_478 = tpu.memref_slice %arg4[%add3A_277, %dma_wait3A_477] : memref<26x4096xi32, #tpu.memory_space<hbm>> -> memref<1x4096xi32, #tpu.memory_space<hbm>>
      %dma_wait3A_479 = tpu.memref_squeeze %dma_wait3A_478 : memref<1x4096xi32, #tpu.memory_space<hbm>> -> memref<4096xi32, #tpu.memory_space<hbm>>
      tpu.wait_dma2 semaphore(%run_scoped3A : memref<!tpu.dma_semaphore, #tpu.memory_space<semaphore_mem>>) src(%dma_wait3A_479 : memref<4096xi32, #tpu.memory_space<hbm>>) dst(%arg8 : memref<4096xi32, #tpu.memory_space<vmem>>)
      tpu.yield
    }) : () -> ()
    %dma_wait3A_284 = arith.constant 0 : i32
    %dma_wait3A_285 = tpu.memref_slice %arg5[%add3A_233, %dma_wait3A_284] : memref<416x4096xf32, #tpu.memory_space<hbm>> -> memref<1x4096xf32, #tpu.memory_space<hbm>>
    %dma_wait3A_286 = tpu.memref_squeeze %dma_wait3A_285 : memref<1x4096xf32, #tpu.memory_space<hbm>> -> memref<4096xf32, #tpu.memory_space<hbm>>
    %dma_wait3A_287 = arith.constant 0 : i32
    %dma_wait3A_288 = tpu.memref_slice %arg5[%add3A_233, %dma_wait3A_287] : memref<416x4096xf32, #tpu.memory_space<hbm>> -> memref<1x4096xf32, #tpu.memory_space<hbm>>
    %dma_wait3A_289 = tpu.memref_squeeze %dma_wait3A_288 : memref<1x4096xf32, #tpu.memory_space<hbm>> -> memref<4096xf32, #tpu.memory_space<hbm>>
    tpu.wait_dma2 semaphore(%arg12 : memref<!tpu.dma_semaphore, #tpu.memory_space<semaphore_mem>>) src(%arg9 : memref<4096xf32, #tpu.memory_space<vmem>>) dst(%dma_wait3A_289 : memref<4096xf32, #tpu.memory_space<hbm>>)
    %dma_wait3A_290 = arith.constant 0 : i32
    %dma_wait3A_291 = tpu.memref_slice %arg2[%add3A_277, %arg1, %dma_wait3A_290] : memref<26x16x100000xf32, #tpu.memory_space<hbm>> -> memref<1x1x100000xf32, #tpu.memory_space<hbm>>
    %dma_wait3A_292 = tpu.memref_squeeze %dma_wait3A_291 : memref<1x1x100000xf32, #tpu.memory_space<hbm>> -> memref<100000xf32, #tpu.memory_space<hbm>>
    %dma_wait3A_293 = arith.constant 0 : i32
    %dma_wait3A_294 = tpu.memref_slice %arg2[%add3A_277, %arg1, %dma_wait3A_293] : memref<26x16x100000xf32, #tpu.memory_space<hbm>> -> memref<1x1x100000xf32, #tpu.memory_space<hbm>>
    %dma_wait3A_295 = tpu.memref_squeeze %dma_wait3A_294 : memref<1x1x100000xf32, #tpu.memory_space<hbm>> -> memref<100000xf32, #tpu.memory_space<hbm>>
    tpu.wait_dma2 semaphore(%arg11 : memref<!tpu.dma_semaphore, #tpu.memory_space<semaphore_mem>>) src(%dma_wait3A_295 : memref<100000xf32, #tpu.memory_space<hbm>>) dst(%arg7 : memref<100000xf32, #tpu.memory_space<vmem>>)
    %scan3A_296 = arith.constant 0 : i32
    %scan3A_297 = arith.constant 0 : i32
    %scan3A_298 = arith.constant 256 : i32
    %scan3A_299 = arith.addi %scan3A_297, %scan3A_298 : i32
    %scan3A_300 = arith.constant 1 : i32
    %scan3A_301 = scf.for %scan3A_468 = %scan3A_297 to %scan3A_299 step %scan3A_300 iter_args(%scan3A_469 = %scan3A_296) -> (i32)  : i32 {
      %mul3A_470 = arith.constant 16 : i32
      %mul3A_471 = arith.muli %scan3A_468, %mul3A_470 : i32
      %get3A = arith.index_cast %mul3A_471 : i32 to index
      %get3A_472 = tpu.vector_load %arg8[%get3A] {strides = array<i32>} : memref<4096xi32, #tpu.memory_space<vmem>>, vector<16xi32>,
      %gather3A = tpu.vector_load_idx %arg7[%get3A_472] : memref<100000xf32, #tpu.memory_space<vmem>>[vector<16xi32>], vector<16xf32>,
      %mul3A_473 = arith.constant 16 : i32
      %mul3A_474 = arith.muli %scan3A_468, %mul3A_473 : i32
      %swap3A = arith.index_cast %mul3A_474 : i32 to index
      %swap3A_475 = tpu.vector_load %arg9[%swap3A] {strides = array<i32>} : memref<4096xf32, #tpu.memory_space<vmem>>, vector<16xf32>,
      tpu.vector_store %arg9[%swap3A], %gather3A {strides = array<i32>} : memref<4096xf32, #tpu.memory_space<vmem>>, vector<16xf32>,
      %scan3A_476 = arith.constant 0 : i32
      scf.yield %scan3A_476 : i32
    }
    %scan3A_302 = arith.constant 256 : i32
    %mul3A_303 = arith.constant 16 : i32
    %mul3A_304 = arith.muli %add3A_277, %mul3A_303 : i32
    %add3A_305 = arith.addi %mul3A_304, %arg1 : i32
    %dma_start3A_306 = arith.constant 0 : i32
    %dma_start3A_307 = tpu.memref_slice %arg5[%add3A_305, %dma_start3A_306] : memref<416x4096xf32, #tpu.memory_space<hbm>> -> memref<1x4096xf32, #tpu.memory_space<hbm>>
    %dma_start3A_308 = tpu.memref_squeeze %dma_start3A_307 : memref<1x4096xf32, #tpu.memory_space<hbm>> -> memref<4096xf32, #tpu.memory_space<hbm>>
    %dma_start3A_309 = arith.constant 0 : i32
    %dma_start3A_310 = tpu.memref_slice %arg5[%add3A_305, %dma_start3A_309] : memref<416x4096xf32, #tpu.memory_space<hbm>> -> memref<1x4096xf32, #tpu.memory_space<hbm>>
    %dma_start3A_311 = tpu.memref_squeeze %dma_start3A_310 : memref<1x4096xf32, #tpu.memory_space<hbm>> -> memref<4096xf32, #tpu.memory_space<hbm>>
    tpu.enqueue_dma source(%arg9 : memref<4096xf32, #tpu.memory_space<vmem>>) target(%dma_start3A_311 : memref<4096xf32, #tpu.memory_space<hbm>>) target_semaphore(%arg12 : memref<!tpu.dma_semaphore, #tpu.memory_space<semaphore_mem>>)
    %add3A_312 = arith.constant 18 : i32
    %add3A_313 = arith.addi %add3A_312, %arg0 : i32
    %dma_start3A_314 = arith.constant 0 : i32
    %dma_start3A_315 = tpu.memref_slice %arg2[%add3A_313, %arg1, %dma_start3A_314] : memref<26x16x100000xf32, #tpu.memory_space<hbm>> -> memref<1x1x100000xf32, #tpu.memory_space<hbm>>
    %dma_start3A_316 = tpu.memref_squeeze %dma_start3A_315 : memref<1x1x100000xf32, #tpu.memory_space<hbm>> -> memref<100000xf32, #tpu.memory_space<hbm>>
    %dma_start3A_317 = arith.constant 0 : i32
    %dma_start3A_318 = tpu.memref_slice %arg2[%add3A_313, %arg1, %dma_start3A_317] : memref<26x16x100000xf32, #tpu.memory_space<hbm>> -> memref<1x1x100000xf32, #tpu.memory_space<hbm>>
    %dma_start3A_319 = tpu.memref_squeeze %dma_start3A_318 : memref<1x1x100000xf32, #tpu.memory_space<hbm>> -> memref<100000xf32, #tpu.memory_space<hbm>>
    tpu.enqueue_dma source(%dma_start3A_319 : memref<100000xf32, #tpu.memory_space<hbm>>) target(%arg7 : memref<100000xf32, #tpu.memory_space<vmem>>) target_semaphore(%arg11 : memref<!tpu.dma_semaphore, #tpu.memory_space<semaphore_mem>>)
    "tpu.region"() ({
      %run_scoped3A = tpu.sem_alloc : memref<!tpu.dma_semaphore, #tpu.memory_space<semaphore_mem>>
      %dma_start3A_468 = arith.constant 0 : i32
      %dma_start3A_469 = tpu.memref_slice %arg4[%add3A_313, %dma_start3A_468] : memref<26x4096xi32, #tpu.memory_space<hbm>> -> memref<1x4096xi32, #tpu.memory_space<hbm>>
      %dma_start3A_470 = tpu.memref_squeeze %dma_start3A_469 : memref<1x4096xi32, #tpu.memory_space<hbm>> -> memref<4096xi32, #tpu.memory_space<hbm>>
      %dma_start3A_471 = arith.constant 0 : i32
      %dma_start3A_472 = tpu.memref_slice %arg4[%add3A_313, %dma_start3A_471] : memref<26x4096xi32, #tpu.memory_space<hbm>> -> memref<1x4096xi32, #tpu.memory_space<hbm>>
      %dma_start3A_473 = tpu.memref_squeeze %dma_start3A_472 : memref<1x4096xi32, #tpu.memory_space<hbm>> -> memref<4096xi32, #tpu.memory_space<hbm>>
      tpu.enqueue_dma source(%dma_start3A_473 : memref<4096xi32, #tpu.memory_space<hbm>>) target(%arg8 : memref<4096xi32, #tpu.memory_space<vmem>>) target_semaphore(%run_scoped3A : memref<!tpu.dma_semaphore, #tpu.memory_space<semaphore_mem>>)
      %dma_wait3A_474 = arith.constant 0 : i32
      %dma_wait3A_475 = tpu.memref_slice %arg4[%add3A_313, %dma_wait3A_474] : memref<26x4096xi32, #tpu.memory_space<hbm>> -> memref<1x4096xi32, #tpu.memory_space<hbm>>
      %dma_wait3A_476 = tpu.memref_squeeze %dma_wait3A_475 : memref<1x4096xi32, #tpu.memory_space<hbm>> -> memref<4096xi32, #tpu.memory_space<hbm>>
      %dma_wait3A_477 = arith.constant 0 : i32
      %dma_wait3A_478 = tpu.memref_slice %arg4[%add3A_313, %dma_wait3A_477] : memref<26x4096xi32, #tpu.memory_space<hbm>> -> memref<1x4096xi32, #tpu.memory_space<hbm>>
      %dma_wait3A_479 = tpu.memref_squeeze %dma_wait3A_478 : memref<1x4096xi32, #tpu.memory_space<hbm>> -> memref<4096xi32, #tpu.memory_space<hbm>>
      tpu.wait_dma2 semaphore(%run_scoped3A : memref<!tpu.dma_semaphore, #tpu.memory_space<semaphore_mem>>) src(%dma_wait3A_479 : memref<4096xi32, #tpu.memory_space<hbm>>) dst(%arg8 : memref<4096xi32, #tpu.memory_space<vmem>>)
      tpu.yield
    }) : () -> ()
    %dma_wait3A_320 = arith.constant 0 : i32
    %dma_wait3A_321 = tpu.memref_slice %arg5[%add3A_269, %dma_wait3A_320] : memref<416x4096xf32, #tpu.memory_space<hbm>> -> memref<1x4096xf32, #tpu.memory_space<hbm>>
    %dma_wait3A_322 = tpu.memref_squeeze %dma_wait3A_321 : memref<1x4096xf32, #tpu.memory_space<hbm>> -> memref<4096xf32, #tpu.memory_space<hbm>>
    %dma_wait3A_323 = arith.constant 0 : i32
    %dma_wait3A_324 = tpu.memref_slice %arg5[%add3A_269, %dma_wait3A_323] : memref<416x4096xf32, #tpu.memory_space<hbm>> -> memref<1x4096xf32, #tpu.memory_space<hbm>>
    %dma_wait3A_325 = tpu.memref_squeeze %dma_wait3A_324 : memref<1x4096xf32, #tpu.memory_space<hbm>> -> memref<4096xf32, #tpu.memory_space<hbm>>
    tpu.wait_dma2 semaphore(%arg13 : memref<!tpu.dma_semaphore, #tpu.memory_space<semaphore_mem>>) src(%arg10 : memref<4096xf32, #tpu.memory_space<vmem>>) dst(%dma_wait3A_325 : memref<4096xf32, #tpu.memory_space<hbm>>)
    %dma_wait3A_326 = arith.constant 0 : i32
    %dma_wait3A_327 = tpu.memref_slice %arg2[%add3A_313, %arg1, %dma_wait3A_326] : memref<26x16x100000xf32, #tpu.memory_space<hbm>> -> memref<1x1x100000xf32, #tpu.memory_space<hbm>>
    %dma_wait3A_328 = tpu.memref_squeeze %dma_wait3A_327 : memref<1x1x100000xf32, #tpu.memory_space<hbm>> -> memref<100000xf32, #tpu.memory_space<hbm>>
    %dma_wait3A_329 = arith.constant 0 : i32
    %dma_wait3A_330 = tpu.memref_slice %arg2[%add3A_313, %arg1, %dma_wait3A_329] : memref<26x16x100000xf32, #tpu.memory_space<hbm>> -> memref<1x1x100000xf32, #tpu.memory_space<hbm>>
    %dma_wait3A_331 = tpu.memref_squeeze %dma_wait3A_330 : memref<1x1x100000xf32, #tpu.memory_space<hbm>> -> memref<100000xf32, #tpu.memory_space<hbm>>
    tpu.wait_dma2 semaphore(%arg11 : memref<!tpu.dma_semaphore, #tpu.memory_space<semaphore_mem>>) src(%dma_wait3A_331 : memref<100000xf32, #tpu.memory_space<hbm>>) dst(%arg7 : memref<100000xf32, #tpu.memory_space<vmem>>)
    %scan3A_332 = arith.constant 0 : i32
    %scan3A_333 = arith.constant 0 : i32
    %scan3A_334 = arith.constant 256 : i32
    %scan3A_335 = arith.addi %scan3A_333, %scan3A_334 : i32
    %scan3A_336 = arith.constant 1 : i32
    %scan3A_337 = scf.for %scan3A_468 = %scan3A_333 to %scan3A_335 step %scan3A_336 iter_args(%scan3A_469 = %scan3A_332) -> (i32)  : i32 {
      %mul3A_470 = arith.constant 16 : i32
      %mul3A_471 = arith.muli %scan3A_468, %mul3A_470 : i32
      %get3A = arith.index_cast %mul3A_471 : i32 to index
      %get3A_472 = tpu.vector_load %arg8[%get3A] {strides = array<i32>} : memref<4096xi32, #tpu.memory_space<vmem>>, vector<16xi32>,
      %gather3A = tpu.vector_load_idx %arg7[%get3A_472] : memref<100000xf32, #tpu.memory_space<vmem>>[vector<16xi32>], vector<16xf32>,
      %mul3A_473 = arith.constant 16 : i32
      %mul3A_474 = arith.muli %scan3A_468, %mul3A_473 : i32
      %swap3A = arith.index_cast %mul3A_474 : i32 to index
      %swap3A_475 = tpu.vector_load %arg10[%swap3A] {strides = array<i32>} : memref<4096xf32, #tpu.memory_space<vmem>>, vector<16xf32>,
      tpu.vector_store %arg10[%swap3A], %gather3A {strides = array<i32>} : memref<4096xf32, #tpu.memory_space<vmem>>, vector<16xf32>,
      %scan3A_476 = arith.constant 0 : i32
      scf.yield %scan3A_476 : i32
    }
    %scan3A_338 = arith.constant 256 : i32
    %mul3A_339 = arith.constant 16 : i32
    %mul3A_340 = arith.muli %add3A_313, %mul3A_339 : i32
    %add3A_341 = arith.addi %mul3A_340, %arg1 : i32
    %dma_start3A_342 = arith.constant 0 : i32
    %dma_start3A_343 = tpu.memref_slice %arg5[%add3A_341, %dma_start3A_342] : memref<416x4096xf32, #tpu.memory_space<hbm>> -> memref<1x4096xf32, #tpu.memory_space<hbm>>
    %dma_start3A_344 = tpu.memref_squeeze %dma_start3A_343 : memref<1x4096xf32, #tpu.memory_space<hbm>> -> memref<4096xf32, #tpu.memory_space<hbm>>
    %dma_start3A_345 = arith.constant 0 : i32
    %dma_start3A_346 = tpu.memref_slice %arg5[%add3A_341, %dma_start3A_345] : memref<416x4096xf32, #tpu.memory_space<hbm>> -> memref<1x4096xf32, #tpu.memory_space<hbm>>
    %dma_start3A_347 = tpu.memref_squeeze %dma_start3A_346 : memref<1x4096xf32, #tpu.memory_space<hbm>> -> memref<4096xf32, #tpu.memory_space<hbm>>
    tpu.enqueue_dma source(%arg10 : memref<4096xf32, #tpu.memory_space<vmem>>) target(%dma_start3A_347 : memref<4096xf32, #tpu.memory_space<hbm>>) target_semaphore(%arg13 : memref<!tpu.dma_semaphore, #tpu.memory_space<semaphore_mem>>)
    %add3A_348 = arith.constant 20 : i32
    %add3A_349 = arith.addi %add3A_348, %arg0 : i32
    %dma_start3A_350 = arith.constant 0 : i32
    %dma_start3A_351 = tpu.memref_slice %arg2[%add3A_349, %arg1, %dma_start3A_350] : memref<26x16x100000xf32, #tpu.memory_space<hbm>> -> memref<1x1x100000xf32, #tpu.memory_space<hbm>>
    %dma_start3A_352 = tpu.memref_squeeze %dma_start3A_351 : memref<1x1x100000xf32, #tpu.memory_space<hbm>> -> memref<100000xf32, #tpu.memory_space<hbm>>
    %dma_start3A_353 = arith.constant 0 : i32
    %dma_start3A_354 = tpu.memref_slice %arg2[%add3A_349, %arg1, %dma_start3A_353] : memref<26x16x100000xf32, #tpu.memory_space<hbm>> -> memref<1x1x100000xf32, #tpu.memory_space<hbm>>
    %dma_start3A_355 = tpu.memref_squeeze %dma_start3A_354 : memref<1x1x100000xf32, #tpu.memory_space<hbm>> -> memref<100000xf32, #tpu.memory_space<hbm>>
    tpu.enqueue_dma source(%dma_start3A_355 : memref<100000xf32, #tpu.memory_space<hbm>>) target(%arg7 : memref<100000xf32, #tpu.memory_space<vmem>>) target_semaphore(%arg11 : memref<!tpu.dma_semaphore, #tpu.memory_space<semaphore_mem>>)
    "tpu.region"() ({
      %run_scoped3A = tpu.sem_alloc : memref<!tpu.dma_semaphore, #tpu.memory_space<semaphore_mem>>
      %dma_start3A_468 = arith.constant 0 : i32
      %dma_start3A_469 = tpu.memref_slice %arg4[%add3A_349, %dma_start3A_468] : memref<26x4096xi32, #tpu.memory_space<hbm>> -> memref<1x4096xi32, #tpu.memory_space<hbm>>
      %dma_start3A_470 = tpu.memref_squeeze %dma_start3A_469 : memref<1x4096xi32, #tpu.memory_space<hbm>> -> memref<4096xi32, #tpu.memory_space<hbm>>
      %dma_start3A_471 = arith.constant 0 : i32
      %dma_start3A_472 = tpu.memref_slice %arg4[%add3A_349, %dma_start3A_471] : memref<26x4096xi32, #tpu.memory_space<hbm>> -> memref<1x4096xi32, #tpu.memory_space<hbm>>
      %dma_start3A_473 = tpu.memref_squeeze %dma_start3A_472 : memref<1x4096xi32, #tpu.memory_space<hbm>> -> memref<4096xi32, #tpu.memory_space<hbm>>
      tpu.enqueue_dma source(%dma_start3A_473 : memref<4096xi32, #tpu.memory_space<hbm>>) target(%arg8 : memref<4096xi32, #tpu.memory_space<vmem>>) target_semaphore(%run_scoped3A : memref<!tpu.dma_semaphore, #tpu.memory_space<semaphore_mem>>)
      %dma_wait3A_474 = arith.constant 0 : i32
      %dma_wait3A_475 = tpu.memref_slice %arg4[%add3A_349, %dma_wait3A_474] : memref<26x4096xi32, #tpu.memory_space<hbm>> -> memref<1x4096xi32, #tpu.memory_space<hbm>>
      %dma_wait3A_476 = tpu.memref_squeeze %dma_wait3A_475 : memref<1x4096xi32, #tpu.memory_space<hbm>> -> memref<4096xi32, #tpu.memory_space<hbm>>
      %dma_wait3A_477 = arith.constant 0 : i32
      %dma_wait3A_478 = tpu.memref_slice %arg4[%add3A_349, %dma_wait3A_477] : memref<26x4096xi32, #tpu.memory_space<hbm>> -> memref<1x4096xi32, #tpu.memory_space<hbm>>
      %dma_wait3A_479 = tpu.memref_squeeze %dma_wait3A_478 : memref<1x4096xi32, #tpu.memory_space<hbm>> -> memref<4096xi32, #tpu.memory_space<hbm>>
      tpu.wait_dma2 semaphore(%run_scoped3A : memref<!tpu.dma_semaphore, #tpu.memory_space<semaphore_mem>>) src(%dma_wait3A_479 : memref<4096xi32, #tpu.memory_space<hbm>>) dst(%arg8 : memref<4096xi32, #tpu.memory_space<vmem>>)
      tpu.yield
    }) : () -> ()
    %dma_wait3A_356 = arith.constant 0 : i32
    %dma_wait3A_357 = tpu.memref_slice %arg5[%add3A_305, %dma_wait3A_356] : memref<416x4096xf32, #tpu.memory_space<hbm>> -> memref<1x4096xf32, #tpu.memory_space<hbm>>
    %dma_wait3A_358 = tpu.memref_squeeze %dma_wait3A_357 : memref<1x4096xf32, #tpu.memory_space<hbm>> -> memref<4096xf32, #tpu.memory_space<hbm>>
    %dma_wait3A_359 = arith.constant 0 : i32
    %dma_wait3A_360 = tpu.memref_slice %arg5[%add3A_305, %dma_wait3A_359] : memref<416x4096xf32, #tpu.memory_space<hbm>> -> memref<1x4096xf32, #tpu.memory_space<hbm>>
    %dma_wait3A_361 = tpu.memref_squeeze %dma_wait3A_360 : memref<1x4096xf32, #tpu.memory_space<hbm>> -> memref<4096xf32, #tpu.memory_space<hbm>>
    tpu.wait_dma2 semaphore(%arg12 : memref<!tpu.dma_semaphore, #tpu.memory_space<semaphore_mem>>) src(%arg9 : memref<4096xf32, #tpu.memory_space<vmem>>) dst(%dma_wait3A_361 : memref<4096xf32, #tpu.memory_space<hbm>>)
    %dma_wait3A_362 = arith.constant 0 : i32
    %dma_wait3A_363 = tpu.memref_slice %arg2[%add3A_349, %arg1, %dma_wait3A_362] : memref<26x16x100000xf32, #tpu.memory_space<hbm>> -> memref<1x1x100000xf32, #tpu.memory_space<hbm>>
    %dma_wait3A_364 = tpu.memref_squeeze %dma_wait3A_363 : memref<1x1x100000xf32, #tpu.memory_space<hbm>> -> memref<100000xf32, #tpu.memory_space<hbm>>
    %dma_wait3A_365 = arith.constant 0 : i32
    %dma_wait3A_366 = tpu.memref_slice %arg2[%add3A_349, %arg1, %dma_wait3A_365] : memref<26x16x100000xf32, #tpu.memory_space<hbm>> -> memref<1x1x100000xf32, #tpu.memory_space<hbm>>
    %dma_wait3A_367 = tpu.memref_squeeze %dma_wait3A_366 : memref<1x1x100000xf32, #tpu.memory_space<hbm>> -> memref<100000xf32, #tpu.memory_space<hbm>>
    tpu.wait_dma2 semaphore(%arg11 : memref<!tpu.dma_semaphore, #tpu.memory_space<semaphore_mem>>) src(%dma_wait3A_367 : memref<100000xf32, #tpu.memory_space<hbm>>) dst(%arg7 : memref<100000xf32, #tpu.memory_space<vmem>>)
    %scan3A_368 = arith.constant 0 : i32
    %scan3A_369 = arith.constant 0 : i32
    %scan3A_370 = arith.constant 256 : i32
    %scan3A_371 = arith.addi %scan3A_369, %scan3A_370 : i32
    %scan3A_372 = arith.constant 1 : i32
    %scan3A_373 = scf.for %scan3A_468 = %scan3A_369 to %scan3A_371 step %scan3A_372 iter_args(%scan3A_469 = %scan3A_368) -> (i32)  : i32 {
      %mul3A_470 = arith.constant 16 : i32
      %mul3A_471 = arith.muli %scan3A_468, %mul3A_470 : i32
      %get3A = arith.index_cast %mul3A_471 : i32 to index
      %get3A_472 = tpu.vector_load %arg8[%get3A] {strides = array<i32>} : memref<4096xi32, #tpu.memory_space<vmem>>, vector<16xi32>,
      %gather3A = tpu.vector_load_idx %arg7[%get3A_472] : memref<100000xf32, #tpu.memory_space<vmem>>[vector<16xi32>], vector<16xf32>,
      %mul3A_473 = arith.constant 16 : i32
      %mul3A_474 = arith.muli %scan3A_468, %mul3A_473 : i32
      %swap3A = arith.index_cast %mul3A_474 : i32 to index
      %swap3A_475 = tpu.vector_load %arg9[%swap3A] {strides = array<i32>} : memref<4096xf32, #tpu.memory_space<vmem>>, vector<16xf32>,
      tpu.vector_store %arg9[%swap3A], %gather3A {strides = array<i32>} : memref<4096xf32, #tpu.memory_space<vmem>>, vector<16xf32>,
      %scan3A_476 = arith.constant 0 : i32
      scf.yield %scan3A_476 : i32
    }
    %scan3A_374 = arith.constant 256 : i32
    %mul3A_375 = arith.constant 16 : i32
    %mul3A_376 = arith.muli %add3A_349, %mul3A_375 : i32
    %add3A_377 = arith.addi %mul3A_376, %arg1 : i32
    %dma_start3A_378 = arith.constant 0 : i32
    %dma_start3A_379 = tpu.memref_slice %arg5[%add3A_377, %dma_start3A_378] : memref<416x4096xf32, #tpu.memory_space<hbm>> -> memref<1x4096xf32, #tpu.memory_space<hbm>>
    %dma_start3A_380 = tpu.memref_squeeze %dma_start3A_379 : memref<1x4096xf32, #tpu.memory_space<hbm>> -> memref<4096xf32, #tpu.memory_space<hbm>>
    %dma_start3A_381 = arith.constant 0 : i32
    %dma_start3A_382 = tpu.memref_slice %arg5[%add3A_377, %dma_start3A_381] : memref<416x4096xf32, #tpu.memory_space<hbm>> -> memref<1x4096xf32, #tpu.memory_space<hbm>>
    %dma_start3A_383 = tpu.memref_squeeze %dma_start3A_382 : memref<1x4096xf32, #tpu.memory_space<hbm>> -> memref<4096xf32, #tpu.memory_space<hbm>>
    tpu.enqueue_dma source(%arg9 : memref<4096xf32, #tpu.memory_space<vmem>>) target(%dma_start3A_383 : memref<4096xf32, #tpu.memory_space<hbm>>) target_semaphore(%arg12 : memref<!tpu.dma_semaphore, #tpu.memory_space<semaphore_mem>>)
    %add3A_384 = arith.constant 22 : i32
    %add3A_385 = arith.addi %add3A_384, %arg0 : i32
    %dma_start3A_386 = arith.constant 0 : i32
    %dma_start3A_387 = tpu.memref_slice %arg2[%add3A_385, %arg1, %dma_start3A_386] : memref<26x16x100000xf32, #tpu.memory_space<hbm>> -> memref<1x1x100000xf32, #tpu.memory_space<hbm>>
    %dma_start3A_388 = tpu.memref_squeeze %dma_start3A_387 : memref<1x1x100000xf32, #tpu.memory_space<hbm>> -> memref<100000xf32, #tpu.memory_space<hbm>>
    %dma_start3A_389 = arith.constant 0 : i32
    %dma_start3A_390 = tpu.memref_slice %arg2[%add3A_385, %arg1, %dma_start3A_389] : memref<26x16x100000xf32, #tpu.memory_space<hbm>> -> memref<1x1x100000xf32, #tpu.memory_space<hbm>>
    %dma_start3A_391 = tpu.memref_squeeze %dma_start3A_390 : memref<1x1x100000xf32, #tpu.memory_space<hbm>> -> memref<100000xf32, #tpu.memory_space<hbm>>
    tpu.enqueue_dma source(%dma_start3A_391 : memref<100000xf32, #tpu.memory_space<hbm>>) target(%arg7 : memref<100000xf32, #tpu.memory_space<vmem>>) target_semaphore(%arg11 : memref<!tpu.dma_semaphore, #tpu.memory_space<semaphore_mem>>)
    "tpu.region"() ({
      %run_scoped3A = tpu.sem_alloc : memref<!tpu.dma_semaphore, #tpu.memory_space<semaphore_mem>>
      %dma_start3A_468 = arith.constant 0 : i32
      %dma_start3A_469 = tpu.memref_slice %arg4[%add3A_385, %dma_start3A_468] : memref<26x4096xi32, #tpu.memory_space<hbm>> -> memref<1x4096xi32, #tpu.memory_space<hbm>>
      %dma_start3A_470 = tpu.memref_squeeze %dma_start3A_469 : memref<1x4096xi32, #tpu.memory_space<hbm>> -> memref<4096xi32, #tpu.memory_space<hbm>>
      %dma_start3A_471 = arith.constant 0 : i32
      %dma_start3A_472 = tpu.memref_slice %arg4[%add3A_385, %dma_start3A_471] : memref<26x4096xi32, #tpu.memory_space<hbm>> -> memref<1x4096xi32, #tpu.memory_space<hbm>>
      %dma_start3A_473 = tpu.memref_squeeze %dma_start3A_472 : memref<1x4096xi32, #tpu.memory_space<hbm>> -> memref<4096xi32, #tpu.memory_space<hbm>>
      tpu.enqueue_dma source(%dma_start3A_473 : memref<4096xi32, #tpu.memory_space<hbm>>) target(%arg8 : memref<4096xi32, #tpu.memory_space<vmem>>) target_semaphore(%run_scoped3A : memref<!tpu.dma_semaphore, #tpu.memory_space<semaphore_mem>>)
      %dma_wait3A_474 = arith.constant 0 : i32
      %dma_wait3A_475 = tpu.memref_slice %arg4[%add3A_385, %dma_wait3A_474] : memref<26x4096xi32, #tpu.memory_space<hbm>> -> memref<1x4096xi32, #tpu.memory_space<hbm>>
      %dma_wait3A_476 = tpu.memref_squeeze %dma_wait3A_475 : memref<1x4096xi32, #tpu.memory_space<hbm>> -> memref<4096xi32, #tpu.memory_space<hbm>>
      %dma_wait3A_477 = arith.constant 0 : i32
      %dma_wait3A_478 = tpu.memref_slice %arg4[%add3A_385, %dma_wait3A_477] : memref<26x4096xi32, #tpu.memory_space<hbm>> -> memref<1x4096xi32, #tpu.memory_space<hbm>>
      %dma_wait3A_479 = tpu.memref_squeeze %dma_wait3A_478 : memref<1x4096xi32, #tpu.memory_space<hbm>> -> memref<4096xi32, #tpu.memory_space<hbm>>
      tpu.wait_dma2 semaphore(%run_scoped3A : memref<!tpu.dma_semaphore, #tpu.memory_space<semaphore_mem>>) src(%dma_wait3A_479 : memref<4096xi32, #tpu.memory_space<hbm>>) dst(%arg8 : memref<4096xi32, #tpu.memory_space<vmem>>)
      tpu.yield
    }) : () -> ()
    %dma_wait3A_392 = arith.constant 0 : i32
    %dma_wait3A_393 = tpu.memref_slice %arg5[%add3A_341, %dma_wait3A_392] : memref<416x4096xf32, #tpu.memory_space<hbm>> -> memref<1x4096xf32, #tpu.memory_space<hbm>>
    %dma_wait3A_394 = tpu.memref_squeeze %dma_wait3A_393 : memref<1x4096xf32, #tpu.memory_space<hbm>> -> memref<4096xf32, #tpu.memory_space<hbm>>
    %dma_wait3A_395 = arith.constant 0 : i32
    %dma_wait3A_396 = tpu.memref_slice %arg5[%add3A_341, %dma_wait3A_395] : memref<416x4096xf32, #tpu.memory_space<hbm>> -> memref<1x4096xf32, #tpu.memory_space<hbm>>
    %dma_wait3A_397 = tpu.memref_squeeze %dma_wait3A_396 : memref<1x4096xf32, #tpu.memory_space<hbm>> -> memref<4096xf32, #tpu.memory_space<hbm>>
    tpu.wait_dma2 semaphore(%arg13 : memref<!tpu.dma_semaphore, #tpu.memory_space<semaphore_mem>>) src(%arg10 : memref<4096xf32, #tpu.memory_space<vmem>>) dst(%dma_wait3A_397 : memref<4096xf32, #tpu.memory_space<hbm>>)
    %dma_wait3A_398 = arith.constant 0 : i32
    %dma_wait3A_399 = tpu.memref_slice %arg2[%add3A_385, %arg1, %dma_wait3A_398] : memref<26x16x100000xf32, #tpu.memory_space<hbm>> -> memref<1x1x100000xf32, #tpu.memory_space<hbm>>
    %dma_wait3A_400 = tpu.memref_squeeze %dma_wait3A_399 : memref<1x1x100000xf32, #tpu.memory_space<hbm>> -> memref<100000xf32, #tpu.memory_space<hbm>>
    %dma_wait3A_401 = arith.constant 0 : i32
    %dma_wait3A_402 = tpu.memref_slice %arg2[%add3A_385, %arg1, %dma_wait3A_401] : memref<26x16x100000xf32, #tpu.memory_space<hbm>> -> memref<1x1x100000xf32, #tpu.memory_space<hbm>>
    %dma_wait3A_403 = tpu.memref_squeeze %dma_wait3A_402 : memref<1x1x100000xf32, #tpu.memory_space<hbm>> -> memref<100000xf32, #tpu.memory_space<hbm>>
    tpu.wait_dma2 semaphore(%arg11 : memref<!tpu.dma_semaphore, #tpu.memory_space<semaphore_mem>>) src(%dma_wait3A_403 : memref<100000xf32, #tpu.memory_space<hbm>>) dst(%arg7 : memref<100000xf32, #tpu.memory_space<vmem>>)
    %scan3A_404 = arith.constant 0 : i32
    %scan3A_405 = arith.constant 0 : i32
    %scan3A_406 = arith.constant 256 : i32
    %scan3A_407 = arith.addi %scan3A_405, %scan3A_406 : i32
    %scan3A_408 = arith.constant 1 : i32
    %scan3A_409 = scf.for %scan3A_468 = %scan3A_405 to %scan3A_407 step %scan3A_408 iter_args(%scan3A_469 = %scan3A_404) -> (i32)  : i32 {
      %mul3A_470 = arith.constant 16 : i32
      %mul3A_471 = arith.muli %scan3A_468, %mul3A_470 : i32
      %get3A = arith.index_cast %mul3A_471 : i32 to index
      %get3A_472 = tpu.vector_load %arg8[%get3A] {strides = array<i32>} : memref<4096xi32, #tpu.memory_space<vmem>>, vector<16xi32>,
      %gather3A = tpu.vector_load_idx %arg7[%get3A_472] : memref<100000xf32, #tpu.memory_space<vmem>>[vector<16xi32>], vector<16xf32>,
      %mul3A_473 = arith.constant 16 : i32
      %mul3A_474 = arith.muli %scan3A_468, %mul3A_473 : i32
      %swap3A = arith.index_cast %mul3A_474 : i32 to index
      %swap3A_475 = tpu.vector_load %arg10[%swap3A] {strides = array<i32>} : memref<4096xf32, #tpu.memory_space<vmem>>, vector<16xf32>,
      tpu.vector_store %arg10[%swap3A], %gather3A {strides = array<i32>} : memref<4096xf32, #tpu.memory_space<vmem>>, vector<16xf32>,
      %scan3A_476 = arith.constant 0 : i32
      scf.yield %scan3A_476 : i32
    }
    %scan3A_410 = arith.constant 256 : i32
    %mul3A_411 = arith.constant 16 : i32
    %mul3A_412 = arith.muli %add3A_385, %mul3A_411 : i32
    %add3A_413 = arith.addi %mul3A_412, %arg1 : i32
    %dma_start3A_414 = arith.constant 0 : i32
    %dma_start3A_415 = tpu.memref_slice %arg5[%add3A_413, %dma_start3A_414] : memref<416x4096xf32, #tpu.memory_space<hbm>> -> memref<1x4096xf32, #tpu.memory_space<hbm>>
    %dma_start3A_416 = tpu.memref_squeeze %dma_start3A_415 : memref<1x4096xf32, #tpu.memory_space<hbm>> -> memref<4096xf32, #tpu.memory_space<hbm>>
    %dma_start3A_417 = arith.constant 0 : i32
    %dma_start3A_418 = tpu.memref_slice %arg5[%add3A_413, %dma_start3A_417] : memref<416x4096xf32, #tpu.memory_space<hbm>> -> memref<1x4096xf32, #tpu.memory_space<hbm>>
    %dma_start3A_419 = tpu.memref_squeeze %dma_start3A_418 : memref<1x4096xf32, #tpu.memory_space<hbm>> -> memref<4096xf32, #tpu.memory_space<hbm>>
    tpu.enqueue_dma source(%arg10 : memref<4096xf32, #tpu.memory_space<vmem>>) target(%dma_start3A_419 : memref<4096xf32, #tpu.memory_space<hbm>>) target_semaphore(%arg13 : memref<!tpu.dma_semaphore, #tpu.memory_space<semaphore_mem>>)
    %add3A_420 = arith.constant 24 : i32
    %add3A_421 = arith.addi %add3A_420, %arg0 : i32
    %dma_start3A_422 = arith.constant 0 : i32
    %dma_start3A_423 = tpu.memref_slice %arg2[%add3A_421, %arg1, %dma_start3A_422] : memref<26x16x100000xf32, #tpu.memory_space<hbm>> -> memref<1x1x100000xf32, #tpu.memory_space<hbm>>
    %dma_start3A_424 = tpu.memref_squeeze %dma_start3A_423 : memref<1x1x100000xf32, #tpu.memory_space<hbm>> -> memref<100000xf32, #tpu.memory_space<hbm>>
    %dma_start3A_425 = arith.constant 0 : i32
    %dma_start3A_426 = tpu.memref_slice %arg2[%add3A_421, %arg1, %dma_start3A_425] : memref<26x16x100000xf32, #tpu.memory_space<hbm>> -> memref<1x1x100000xf32, #tpu.memory_space<hbm>>
    %dma_start3A_427 = tpu.memref_squeeze %dma_start3A_426 : memref<1x1x100000xf32, #tpu.memory_space<hbm>> -> memref<100000xf32, #tpu.memory_space<hbm>>
    tpu.enqueue_dma source(%dma_start3A_427 : memref<100000xf32, #tpu.memory_space<hbm>>) target(%arg7 : memref<100000xf32, #tpu.memory_space<vmem>>) target_semaphore(%arg11 : memref<!tpu.dma_semaphore, #tpu.memory_space<semaphore_mem>>)
    "tpu.region"() ({
      %run_scoped3A = tpu.sem_alloc : memref<!tpu.dma_semaphore, #tpu.memory_space<semaphore_mem>>
      %dma_start3A_468 = arith.constant 0 : i32
      %dma_start3A_469 = tpu.memref_slice %arg4[%add3A_421, %dma_start3A_468] : memref<26x4096xi32, #tpu.memory_space<hbm>> -> memref<1x4096xi32, #tpu.memory_space<hbm>>
      %dma_start3A_470 = tpu.memref_squeeze %dma_start3A_469 : memref<1x4096xi32, #tpu.memory_space<hbm>> -> memref<4096xi32, #tpu.memory_space<hbm>>
      %dma_start3A_471 = arith.constant 0 : i32
      %dma_start3A_472 = tpu.memref_slice %arg4[%add3A_421, %dma_start3A_471] : memref<26x4096xi32, #tpu.memory_space<hbm>> -> memref<1x4096xi32, #tpu.memory_space<hbm>>
      %dma_start3A_473 = tpu.memref_squeeze %dma_start3A_472 : memref<1x4096xi32, #tpu.memory_space<hbm>> -> memref<4096xi32, #tpu.memory_space<hbm>>
      tpu.enqueue_dma source(%dma_start3A_473 : memref<4096xi32, #tpu.memory_space<hbm>>) target(%arg8 : memref<4096xi32, #tpu.memory_space<vmem>>) target_semaphore(%run_scoped3A : memref<!tpu.dma_semaphore, #tpu.memory_space<semaphore_mem>>)
      %dma_wait3A_474 = arith.constant 0 : i32
      %dma_wait3A_475 = tpu.memref_slice %arg4[%add3A_421, %dma_wait3A_474] : memref<26x4096xi32, #tpu.memory_space<hbm>> -> memref<1x4096xi32, #tpu.memory_space<hbm>>
      %dma_wait3A_476 = tpu.memref_squeeze %dma_wait3A_475 : memref<1x4096xi32, #tpu.memory_space<hbm>> -> memref<4096xi32, #tpu.memory_space<hbm>>
      %dma_wait3A_477 = arith.constant 0 : i32
      %dma_wait3A_478 = tpu.memref_slice %arg4[%add3A_421, %dma_wait3A_477] : memref<26x4096xi32, #tpu.memory_space<hbm>> -> memref<1x4096xi32, #tpu.memory_space<hbm>>
      %dma_wait3A_479 = tpu.memref_squeeze %dma_wait3A_478 : memref<1x4096xi32, #tpu.memory_space<hbm>> -> memref<4096xi32, #tpu.memory_space<hbm>>
      tpu.wait_dma2 semaphore(%run_scoped3A : memref<!tpu.dma_semaphore, #tpu.memory_space<semaphore_mem>>) src(%dma_wait3A_479 : memref<4096xi32, #tpu.memory_space<hbm>>) dst(%arg8 : memref<4096xi32, #tpu.memory_space<vmem>>)
      tpu.yield
    }) : () -> ()
    %dma_wait3A_428 = arith.constant 0 : i32
    %dma_wait3A_429 = tpu.memref_slice %arg5[%add3A_377, %dma_wait3A_428] : memref<416x4096xf32, #tpu.memory_space<hbm>> -> memref<1x4096xf32, #tpu.memory_space<hbm>>
    %dma_wait3A_430 = tpu.memref_squeeze %dma_wait3A_429 : memref<1x4096xf32, #tpu.memory_space<hbm>> -> memref<4096xf32, #tpu.memory_space<hbm>>
    %dma_wait3A_431 = arith.constant 0 : i32
    %dma_wait3A_432 = tpu.memref_slice %arg5[%add3A_377, %dma_wait3A_431] : memref<416x4096xf32, #tpu.memory_space<hbm>> -> memref<1x4096xf32, #tpu.memory_space<hbm>>
    %dma_wait3A_433 = tpu.memref_squeeze %dma_wait3A_432 : memref<1x4096xf32, #tpu.memory_space<hbm>> -> memref<4096xf32, #tpu.memory_space<hbm>>
    tpu.wait_dma2 semaphore(%arg12 : memref<!tpu.dma_semaphore, #tpu.memory_space<semaphore_mem>>) src(%arg9 : memref<4096xf32, #tpu.memory_space<vmem>>) dst(%dma_wait3A_433 : memref<4096xf32, #tpu.memory_space<hbm>>)
    %dma_wait3A_434 = arith.constant 0 : i32
    %dma_wait3A_435 = tpu.memref_slice %arg2[%add3A_421, %arg1, %dma_wait3A_434] : memref<26x16x100000xf32, #tpu.memory_space<hbm>> -> memref<1x1x100000xf32, #tpu.memory_space<hbm>>
    %dma_wait3A_436 = tpu.memref_squeeze %dma_wait3A_435 : memref<1x1x100000xf32, #tpu.memory_space<hbm>> -> memref<100000xf32, #tpu.memory_space<hbm>>
    %dma_wait3A_437 = arith.constant 0 : i32
    %dma_wait3A_438 = tpu.memref_slice %arg2[%add3A_421, %arg1, %dma_wait3A_437] : memref<26x16x100000xf32, #tpu.memory_space<hbm>> -> memref<1x1x100000xf32, #tpu.memory_space<hbm>>
    %dma_wait3A_439 = tpu.memref_squeeze %dma_wait3A_438 : memref<1x1x100000xf32, #tpu.memory_space<hbm>> -> memref<100000xf32, #tpu.memory_space<hbm>>
    tpu.wait_dma2 semaphore(%arg11 : memref<!tpu.dma_semaphore, #tpu.memory_space<semaphore_mem>>) src(%dma_wait3A_439 : memref<100000xf32, #tpu.memory_space<hbm>>) dst(%arg7 : memref<100000xf32, #tpu.memory_space<vmem>>)
    %scan3A_440 = arith.constant 0 : i32
    %scan3A_441 = arith.constant 0 : i32
    %scan3A_442 = arith.constant 256 : i32
    %scan3A_443 = arith.addi %scan3A_441, %scan3A_442 : i32
    %scan3A_444 = arith.constant 1 : i32
    %scan3A_445 = scf.for %scan3A_468 = %scan3A_441 to %scan3A_443 step %scan3A_444 iter_args(%scan3A_469 = %scan3A_440) -> (i32)  : i32 {
      %mul3A_470 = arith.constant 16 : i32
      %mul3A_471 = arith.muli %scan3A_468, %mul3A_470 : i32
      %get3A = arith.index_cast %mul3A_471 : i32 to index
      %get3A_472 = tpu.vector_load %arg8[%get3A] {strides = array<i32>} : memref<4096xi32, #tpu.memory_space<vmem>>, vector<16xi32>,
      %gather3A = tpu.vector_load_idx %arg7[%get3A_472] : memref<100000xf32, #tpu.memory_space<vmem>>[vector<16xi32>], vector<16xf32>,
      %mul3A_473 = arith.constant 16 : i32
      %mul3A_474 = arith.muli %scan3A_468, %mul3A_473 : i32
      %swap3A = arith.index_cast %mul3A_474 : i32 to index
      %swap3A_475 = tpu.vector_load %arg9[%swap3A] {strides = array<i32>} : memref<4096xf32, #tpu.memory_space<vmem>>, vector<16xf32>,
      tpu.vector_store %arg9[%swap3A], %gather3A {strides = array<i32>} : memref<4096xf32, #tpu.memory_space<vmem>>, vector<16xf32>,
      %scan3A_476 = arith.constant 0 : i32
      scf.yield %scan3A_476 : i32
    }
    %scan3A_446 = arith.constant 256 : i32
    %mul3A_447 = arith.constant 16 : i32
    %mul3A_448 = arith.muli %add3A_421, %mul3A_447 : i32
    %add3A_449 = arith.addi %mul3A_448, %arg1 : i32
    %dma_start3A_450 = arith.constant 0 : i32
    %dma_start3A_451 = tpu.memref_slice %arg5[%add3A_449, %dma_start3A_450] : memref<416x4096xf32, #tpu.memory_space<hbm>> -> memref<1x4096xf32, #tpu.memory_space<hbm>>
    %dma_start3A_452 = tpu.memref_squeeze %dma_start3A_451 : memref<1x4096xf32, #tpu.memory_space<hbm>> -> memref<4096xf32, #tpu.memory_space<hbm>>
    %dma_start3A_453 = arith.constant 0 : i32
    %dma_start3A_454 = tpu.memref_slice %arg5[%add3A_449, %dma_start3A_453] : memref<416x4096xf32, #tpu.memory_space<hbm>> -> memref<1x4096xf32, #tpu.memory_space<hbm>>
    %dma_start3A_455 = tpu.memref_squeeze %dma_start3A_454 : memref<1x4096xf32, #tpu.memory_space<hbm>> -> memref<4096xf32, #tpu.memory_space<hbm>>
    tpu.enqueue_dma source(%arg9 : memref<4096xf32, #tpu.memory_space<vmem>>) target(%dma_start3A_455 : memref<4096xf32, #tpu.memory_space<hbm>>) target_semaphore(%arg12 : memref<!tpu.dma_semaphore, #tpu.memory_space<semaphore_mem>>)
    %dma_wait3A_456 = arith.constant 0 : i32
    %dma_wait3A_457 = tpu.memref_slice %arg5[%add3A_449, %dma_wait3A_456] : memref<416x4096xf32, #tpu.memory_space<hbm>> -> memref<1x4096xf32, #tpu.memory_space<hbm>>
    %dma_wait3A_458 = tpu.memref_squeeze %dma_wait3A_457 : memref<1x4096xf32, #tpu.memory_space<hbm>> -> memref<4096xf32, #tpu.memory_space<hbm>>
    %dma_wait3A_459 = arith.constant 0 : i32
    %dma_wait3A_460 = tpu.memref_slice %arg5[%add3A_449, %dma_wait3A_459] : memref<416x4096xf32, #tpu.memory_space<hbm>> -> memref<1x4096xf32, #tpu.memory_space<hbm>>
    %dma_wait3A_461 = tpu.memref_squeeze %dma_wait3A_460 : memref<1x4096xf32, #tpu.memory_space<hbm>> -> memref<4096xf32, #tpu.memory_space<hbm>>
    tpu.wait_dma2 semaphore(%arg12 : memref<!tpu.dma_semaphore, #tpu.memory_space<semaphore_mem>>) src(%arg9 : memref<4096xf32, #tpu.memory_space<vmem>>) dst(%dma_wait3A_461 : memref<4096xf32, #tpu.memory_space<hbm>>)
    %dma_wait3A_462 = arith.constant 0 : i32
    %dma_wait3A_463 = tpu.memref_slice %arg5[%add3A_413, %dma_wait3A_462] : memref<416x4096xf32, #tpu.memory_space<hbm>> -> memref<1x4096xf32, #tpu.memory_space<hbm>>
    %dma_wait3A_464 = tpu.memref_squeeze %dma_wait3A_463 : memref<1x4096xf32, #tpu.memory_space<hbm>> -> memref<4096xf32, #tpu.memory_space<hbm>>
    %dma_wait3A_465 = arith.constant 0 : i32
    %dma_wait3A_466 = tpu.memref_slice %arg5[%add3A_413, %dma_wait3A_465] : memref<416x4096xf32, #tpu.memory_space<hbm>> -> memref<1x4096xf32, #tpu.memory_space<hbm>>
    %dma_wait3A_467 = tpu.memref_squeeze %dma_wait3A_466 : memref<1x4096xf32, #tpu.memory_space<hbm>> -> memref<4096xf32, #tpu.memory_space<hbm>>
    tpu.wait_dma2 semaphore(%arg13 : memref<!tpu.dma_semaphore, #tpu.memory_space<semaphore_mem>>) src(%arg10 : memref<4096xf32, #tpu.memory_space<vmem>>) dst(%dma_wait3A_467 : memref<4096xf32, #tpu.memory_space<hbm>>)
    return
  }
}

module attributes {stable_mosaic.version = 14 : i64} {
  func.func @_tc_body(%arg0: i32, %arg1: memref<416x1024xf32, #tpu.memory_space<vmem>>, %arg2: memref<26x1024xf32, #tpu.memory_space<vmem>>, %arg3: memref<416x64xf32, #tpu.memory_space<vmem>>, %arg4: memref<64x1xf32, #tpu.memory_space<vmem>>, %arg5: memref<64x32xf32, #tpu.memory_space<vmem>>, %arg6: memref<32x1xf32, #tpu.memory_space<vmem>>, %arg7: memref<32x1xf32, #tpu.memory_space<vmem>>, %arg8: memref<1x1xf32, #tpu.memory_space<vmem>>, %arg9: memref<1024xf32, #tpu.memory_space<vmem>>) attributes {dimension_semantics = [#tpu.dimension_semantics<arbitrary>], iteration_bounds = array<i64: 4>, scalar_prefetch = 0 : i64, scratch_operands = 0 : i64, tpu.core_type = #tpu.core_type<tc>, window_params = [{transform_indices = @transform_0, window_bounds = array<i64: 416, 1024>}, {transform_indices = @transform_1, window_bounds = array<i64: 26, 1024>}, {pipeline_mode = #tpu.pipeline_mode<synchronous>, transform_indices = @transform_2, window_bounds = array<i64: 416, 64>}, {pipeline_mode = #tpu.pipeline_mode<synchronous>, transform_indices = @transform_3, window_bounds = array<i64: 64, 1>}, {pipeline_mode = #tpu.pipeline_mode<synchronous>, transform_indices = @transform_4, window_bounds = array<i64: 64, 32>}, {pipeline_mode = #tpu.pipeline_mode<synchronous>, transform_indices = @transform_5, window_bounds = array<i64: 32, 1>}, {pipeline_mode = #tpu.pipeline_mode<synchronous>, transform_indices = @transform_6, window_bounds = array<i64: 32, 1>}, {pipeline_mode = #tpu.pipeline_mode<synchronous>, transform_indices = @transform_7, window_bounds = array<i64: 1, 1>}, {transform_indices = @transform_8, window_bounds = array<i64: 1024>}]} {
    %get3A = arith.constant 0 : index
    %get3A_0 = arith.constant 0 : index
    %get3A_1 = vector.load %arg1[%get3A, %get3A_0] : memref<416x1024xf32, #tpu.memory_space<vmem>>, vector<416x1024xf32>
    %get3A_2 = arith.constant 0 : index
    %get3A_3 = arith.constant 0 : index
    %get3A_4 = vector.load %arg2[%get3A_2, %get3A_3] : memref<26x1024xf32, #tpu.memory_space<vmem>>, vector<26x1024xf32>
    %reduce_sum3A = arith.constant dense<0.000000e+00> : vector<1024xf32>
    %reduce_sum3A_5 = vector.multi_reduction <add>, %get3A_4, %reduce_sum3A [0] : vector<26x1024xf32> to vector<1024xf32>
    %iota3A = tpu.iota {dimensions = array<i32: 0>} : vector<16x416xi32>
    %iota3A_6 = tpu.iota {dimensions = array<i32: 1>} : vector<16x416xi32>
    %jit3A = arith.constant 16 : i32
    %eq3A = arith.constant 0 : i32
    %eq3A_7 = arith.cmpi eq, %jit3A, %eq3A : i32
    %jit3A_8 = arith.constant 1 : i32
    %select_n3A = arith.select %eq3A_7, %jit3A_8, %jit3A : i32
    %rem3A = vector.broadcast %select_n3A : i32 to vector<16x416xi32>
    %rem3A_9 = arith.remsi %iota3A_6, %rem3A : vector<16x416xi32>
    %ne3A = arith.constant 0 : i32
    %ne3A_10 = vector.broadcast %ne3A : i32 to vector<16x416xi32>
    %ne3A_11 = arith.cmpi ne, %rem3A_9, %ne3A_10 : vector<16x416xi32>
    %lt3A = arith.constant 0 : i32
    %lt3A_12 = vector.broadcast %lt3A : i32 to vector<16x416xi32>
    %lt3A_13 = arith.cmpi slt, %rem3A_9, %lt3A_12 : vector<16x416xi32>
    %lt3A_14 = arith.constant 0 : i32
    %lt3A_15 = arith.cmpi slt, %select_n3A, %lt3A_14 : i32
    %ne3A_16 = vector.broadcast %lt3A_15 : i1 to vector<16x416xi1>
    %ne3A_17 = vector.broadcast %ne3A_16 : vector<16x416xi1> to vector<16x416xi1>
    %ne3A_18 = arith.xori %lt3A_13, %ne3A_17 : vector<16x416xi1>
    %and3A = arith.andi %ne3A_18, %ne3A_11 : vector<16x416xi1>
    %add3A = vector.broadcast %select_n3A : i32 to vector<16x416xi32>
    %add3A_19 = arith.addi %rem3A_9, %add3A : vector<16x416xi32>
    %select_n3A_20 = arith.select %and3A, %add3A_19, %rem3A_9 : vector<16x416xi1>, vector<16x416xi32>
    %eq3A_21 = arith.cmpi eq, %select_n3A_20, %iota3A : vector<16x416xi32>
    %convert_element_type3A = arith.extui %eq3A_21 : vector<16x416xi1> to vector<16x416xi32>
    %convert_element_type3A_22 = arith.sitofp %convert_element_type3A : vector<16x416xi32> to vector<16x416xf32>
    %dot_general3A = arith.constant dense<0.000000e+00> : vector<16x1024xf32>
    %dot_general3A_23 = tpu.matmul %convert_element_type3A_22, %get3A_1, %dot_general3A {dimension_numbers = #tpu.dot_dimension_numbers<[1], [0], [0], [1], [0, 0, 1, 1], [], []>, transpose_lhs_hint = false} : vector<16x416xf32>, vector<416x1024xf32>, vector<16x1024xf32> -> vector<16x1024xf32>
    %mul3A = arith.mulf %get3A_1, %get3A_1 : vector<416x1024xf32>
    %reduce_sum3A_24 = arith.constant dense<0.000000e+00> : vector<1024xf32>
    %reduce_sum3A_25 = vector.multi_reduction <add>, %mul3A, %reduce_sum3A_24 [0] : vector<416x1024xf32> to vector<1024xf32>
    %mul3A_26 = arith.mulf %dot_general3A_23, %dot_general3A_23 : vector<16x1024xf32>
    %reduce_sum3A_27 = arith.constant dense<0.000000e+00> : vector<1024xf32>
    %reduce_sum3A_28 = vector.multi_reduction <add>, %mul3A_26, %reduce_sum3A_27 [0] : vector<16x1024xf32> to vector<1024xf32>
    %sub3A = arith.subf %reduce_sum3A_28, %reduce_sum3A_25 : vector<1024xf32>
    %mul3A_29 = arith.constant 5.000000e-01 : f32
    %mul3A_30 = vector.broadcast %mul3A_29 : f32 to vector<1024xf32>
    %mul3A_31 = arith.mulf %mul3A_30, %sub3A : vector<1024xf32>
    %get3A_32 = arith.constant 0 : index
    %get3A_33 = arith.constant 0 : index
    %get3A_34 = vector.load %arg3[%get3A_32, %get3A_33] : memref<416x64xf32, #tpu.memory_space<vmem>>, vector<416x64xf32>
    %convert_element_type3A_35 = arith.truncf %get3A_34 : vector<416x64xf32> to vector<416x64xbf16>
    %convert_element_type3A_36 = arith.truncf %get3A_1 : vector<416x1024xf32> to vector<416x1024xbf16>
    %dot_general3A_37 = arith.constant dense<0.000000e+00> : vector<64x1024xf32>
    %dot_general3A_38 = tpu.matmul %convert_element_type3A_35, %convert_element_type3A_36, %dot_general3A_37 {dimension_numbers = #tpu.dot_dimension_numbers<[0], [0], [1], [1], [0, 1, 1, 1], [], []>, transpose_lhs_hint = false} : vector<416x64xbf16>, vector<416x1024xbf16>, vector<64x1024xf32> -> vector<64x1024xf32>
    %get3A_39 = arith.constant 0 : index
    %get3A_40 = arith.constant 0 : index
    %get3A_41 = vector.load %arg4[%get3A_39, %get3A_40] : memref<64x1xf32, #tpu.memory_space<vmem>>, vector<64x1xf32>
    %add3A_42 = vector.broadcast %get3A_41 : vector<64x1xf32> to vector<64x1024xf32>
    %add3A_43 = arith.addf %dot_general3A_38, %add3A_42 : vector<64x1024xf32>
    %max3A = arith.constant 0.000000e+00 : f32
    %max3A_44 = vector.broadcast %max3A : f32 to vector<64x1024xf32>
    %max3A_45 = arith.maximumf %add3A_43, %max3A_44 : vector<64x1024xf32>
    %get3A_46 = arith.constant 0 : index
    %get3A_47 = arith.constant 0 : index
    %get3A_48 = vector.load %arg5[%get3A_46, %get3A_47] : memref<64x32xf32, #tpu.memory_space<vmem>>, vector<64x32xf32>
    %convert_element_type3A_49 = arith.truncf %get3A_48 : vector<64x32xf32> to vector<64x32xbf16>
    %convert_element_type3A_50 = arith.truncf %max3A_45 : vector<64x1024xf32> to vector<64x1024xbf16>
    %dot_general3A_51 = arith.constant dense<0.000000e+00> : vector<32x1024xf32>
    %dot_general3A_52 = tpu.matmul %convert_element_type3A_49, %convert_element_type3A_50, %dot_general3A_51 {dimension_numbers = #tpu.dot_dimension_numbers<[0], [0], [1], [1], [0, 1, 1, 1], [], []>, transpose_lhs_hint = false} : vector<64x32xbf16>, vector<64x1024xbf16>, vector<32x1024xf32> -> vector<32x1024xf32>
    %get3A_53 = arith.constant 0 : index
    %get3A_54 = arith.constant 0 : index
    %get3A_55 = vector.load %arg6[%get3A_53, %get3A_54] : memref<32x1xf32, #tpu.memory_space<vmem>>, vector<32x1xf32>
    %add3A_56 = vector.broadcast %get3A_55 : vector<32x1xf32> to vector<32x1024xf32>
    %add3A_57 = arith.addf %dot_general3A_52, %add3A_56 : vector<32x1024xf32>
    %max3A_58 = arith.constant 0.000000e+00 : f32
    %max3A_59 = vector.broadcast %max3A_58 : f32 to vector<32x1024xf32>
    %max3A_60 = arith.maximumf %add3A_57, %max3A_59 : vector<32x1024xf32>
    %get3A_61 = arith.constant 0 : index
    %get3A_62 = arith.constant 0 : index
    %get3A_63 = vector.load %arg7[%get3A_61, %get3A_62] : memref<32x1xf32, #tpu.memory_space<vmem>>, vector<32x1xf32>
    %convert_element_type3A_64 = arith.truncf %get3A_63 : vector<32x1xf32> to vector<32x1xbf16>
    %convert_element_type3A_65 = arith.truncf %max3A_60 : vector<32x1024xf32> to vector<32x1024xbf16>
    %dot_general3A_66 = arith.constant dense<0.000000e+00> : vector<1x1024xf32>
    %dot_general3A_67 = tpu.matmul %convert_element_type3A_64, %convert_element_type3A_65, %dot_general3A_66 {dimension_numbers = #tpu.dot_dimension_numbers<[0], [0], [1], [1], [0, 1, 1, 1], [], []>, transpose_lhs_hint = false} : vector<32x1xbf16>, vector<32x1024xbf16>, vector<1x1024xf32> -> vector<1x1024xf32>
    %squeeze3A = vector.shape_cast %dot_general3A_67 : vector<1x1024xf32> to vector<1024xf32>
    %get3A_68 = arith.constant 0 : index
    %get3A_69 = arith.constant 0 : index
    %get3A_70 = vector.load %arg8[%get3A_68, %get3A_69] : memref<1x1xf32, #tpu.memory_space<vmem>>, vector<1x1xf32>
    %get3A_71 = vector.extract %get3A_70[0, 0] : f32 from vector<1x1xf32>
    %add3A_72 = vector.broadcast %get3A_71 : f32 to vector<1024xf32>
    %add3A_73 = arith.addf %squeeze3A, %add3A_72 : vector<1024xf32>
    %add3A_74 = arith.addf %reduce_sum3A_5, %mul3A_31 : vector<1024xf32>
    %add3A_75 = arith.addf %add3A_74, %add3A_73 : vector<1024xf32>
    %swap3A = arith.constant 0 : index
    %swap3A_76 = vector.load %arg9[%swap3A] : memref<1024xf32, #tpu.memory_space<vmem>>, vector<1024xf32>
    tpu.vector_store %arg9[%swap3A], %add3A_75 {strides = array<i32>} : memref<1024xf32, #tpu.memory_space<vmem>>, vector<1024xf32>,
    return
  }
  func.func @transform_0(%arg0: i32) -> (i32, i32) {
    %c0_i32 = arith.constant 0 : i32
    %c0_i32_0 = arith.constant 0 : i32
    return %c0_i32, %arg0 : i32, i32
  }
  func.func @transform_1(%arg0: i32) -> (i32, i32) {
    %c0_i32 = arith.constant 0 : i32
    %c0_i32_0 = arith.constant 0 : i32
    return %c0_i32, %arg0 : i32, i32
  }
  func.func @transform_2(%arg0: i32) -> (i32, i32) {
    %c0_i32 = arith.constant 0 : i32
    %c0_i32_0 = arith.constant 0 : i32
    %c0_i32_1 = arith.constant 0 : i32
    return %c0_i32, %c0_i32_0 : i32, i32
  }
  func.func @transform_3(%arg0: i32) -> (i32, i32) {
    %c0_i32 = arith.constant 0 : i32
    %c0_i32_0 = arith.constant 0 : i32
    %c0_i32_1 = arith.constant 0 : i32
    return %c0_i32, %c0_i32_0 : i32, i32
  }
  func.func @transform_4(%arg0: i32) -> (i32, i32) {
    %c0_i32 = arith.constant 0 : i32
    %c0_i32_0 = arith.constant 0 : i32
    %c0_i32_1 = arith.constant 0 : i32
    return %c0_i32, %c0_i32_0 : i32, i32
  }
  func.func @transform_5(%arg0: i32) -> (i32, i32) {
    %c0_i32 = arith.constant 0 : i32
    %c0_i32_0 = arith.constant 0 : i32
    %c0_i32_1 = arith.constant 0 : i32
    return %c0_i32, %c0_i32_0 : i32, i32
  }
  func.func @transform_6(%arg0: i32) -> (i32, i32) {
    %c0_i32 = arith.constant 0 : i32
    %c0_i32_0 = arith.constant 0 : i32
    %c0_i32_1 = arith.constant 0 : i32
    return %c0_i32, %c0_i32_0 : i32, i32
  }
  func.func @transform_7(%arg0: i32) -> (i32, i32) {
    %c0_i32 = arith.constant 0 : i32
    %c0_i32_0 = arith.constant 0 : i32
    %c0_i32_1 = arith.constant 0 : i32
    return %c0_i32, %c0_i32_0 : i32, i32
  }
  func.func @transform_8(%arg0: i32) -> i32 {
    %c0_i32 = arith.constant 0 : i32
    return %arg0 : i32
  }
}

</mosaic_0001>

<sc_bundles>
// kernel: kernel.4.cloned.1.call-start
scs
__scs_entry_jumppad:
0x0: {  	(pc) =	sbr.rel $0x88, $3  }
0x1: {  	(tag) =	ssettag $0x0;
	lr =	simm.s32 $0x1  }
0x2: {  	[smem:$0x3F98] =	sst lr;
	_ =	strace $0xD0000000  }
0x3: {  	_ = 	snop  }
0x4: {  	_ = 	snop  }
0x5: {  	_ = 	snop  }
0x6: {  	_ = 	snop  }
0x7: {  	_ = 	snop  }
__scs_overlays_trampoline_lowered:
0x8: {  	[smem:$0x3FA7] =	sst s0  }
0x9: {  	[smem:$0x3FA8] =	sst s1  }
0xa: {  	[smem:$0x3FA9] =	sst s2  }
0xb: {  	[smem:$0x3FAA] =	sst s3  }
0xc: {  	[smem:$0x3FAB] =	sst s4  }
0xd: {  	[smem:$0x3FAC] =	sst s5  }
0xe: {  	[smem:$0x3FAD] =	sst s6  }
0xf: {  	[smem:$0x3FAE] =	sst s7  }
0x10: {  	[smem:$0x3FAF] =	sst s8  }
0x11: {  	[smem:$0x3FB0] =	sst s9;
	s0 =	simm.s32 @!p0 $0x0  }
0x12: {  	s1 =	sld [smem:$0x3F96];
	s0 =	simm.s32 @p0 $0x1  }
0x13: {  	[smem:$0x3FB1] =	sst s0;
	s0 =	simm.s32 @!p1 $0x0  }
0x14: {  	s2 =	sld [smem:$0x3F95];
	s0 =	simm.s32 @p1 $0x1  }
0x15: {  	[smem:$0x3FB2] =	sst s0;
	s0 =	simm.s32 @!p2 $0x0  }
0x16: {  	s3 =	sld [smem:$0x3FDB];
	s0 =	simm.s32 @p2 $0x1  }
0x17: {  	s4 =	simm.s32 $0x1BF5;
	[smem:$0x3FB4] =	sst s0  }
0x18: {  	s0 =	sld [smem:$0x3F97];
	_ =	swait.ge [sflag:s4], $0x0  }
0x19: {  	s7 =	sld [smem:$0x3F98]  }
0x1a: {  	s8 =	sadd.s32 $0xFFFFE003, lr  }
0x1b: {  	s9 =	sadd.s32 $0xFFFFFEF7, lr;
	s5 =	simm.s32 $0xFFFFFFFF;
	p2 =	slt.u32 s8, $0xFFFFF086  }
0x1c: {  	p1 =	slt.u32 s9, $0xF7A;
	s5 =	simm.s32 @!p2 $0x0  }
0x1d: {  	s5 =	simm.s32 @p1 $0x1;
	p0 =	seq.s32 s7, s2  }
0x1e: {  	s7 =	smul.u32 @!p0 $0xF7A, s2;
	p2 =	seq.s32 @!p0 s5, $0x0  }
0x1f: {  	s9 =	smul.u32 $0xF7A, s1;
	s8 =	simm.s32 @!p0 $0x1BF5;
	p2 =	por !p2, p0  }
0x20: {  	[sflag:s8] =	ssyncset.s32 @!p0 $0xFFFFF086;
	s6 =	sadd.s32 @!p0 s3, s7;
	s7 =	simm.s32 @!p0 $0x108  }
0x21: {  	s3 =	sadd.s32 s3, s9;
	s6 =	sadd.s32 @!p0 $0x88, s6;
	s7 =	simm.s32 @p2 $0x1082  }
0x22: {  	[simem:s7], [sflag:s8] =	dma.local @!p0 [hbm:s6], $0xF7A  }
0x23: {  	s9 =	sor.u32 $0xD0000000, s2;
	s6 =	simm.s32 $0x108;
	_ =	swait.ge @!p0 [sflag:s8], $0x0  }
0x24: {  	s3 =	sadd.s32 $0x88, s3;
	s6 =	simm.s32 @!p1 $0x1082;
	[sflag:s4] =	ssyncset.s32 $0xFFFFF086  }
0x25: {  	[simem:s6], [sflag:s4] =	dma.local [hbm:s3], $0xF7A  }
0x26: {  	[smem:$0x3F98] =	sst s1;
	(tag) =	ssettag s2;
	_ =	strace s9  }
0x27: {  	s1 =	sld [smem:$0x3FA8]  }
0x28: {  	s2 =	sld [smem:$0x3FA9]  }
0x29: {  	s4 =	sld [smem:$0x3FAB]  }
0x2a: {  	p0 =	seq.s32 s5, $0x0;
	s5 =	sld [smem:$0x3FAC]  }
0x2b: {  	s6 =	sld [smem:$0x3FAD]  }
0x2c: {  	s7 =	sld [smem:$0x3FAE]  }
0x2d: {  	s3 =	simm.s32 $0x108;
	s8 =	sld [smem:$0x3FAF]  }
0x2e: {  	s3 =	simm.s32 @!p0 $0x1082;
	s9 =	sld [smem:$0x3FB0]  }
0x2f: {  	lr =	sadd.s32 s0, s3;
	s0 =	sld [smem:$0x3FA7]  }
0x30: {  	s3 =	sld [smem:$0x3FAA]  }
0x31: {  	[smem:$0x3FB3] =	sst s10  }
0x32: {  	s10 =	sld [smem:$0x3FB1];
	_ =	sdelay $0x3  }
0x33: {  	p0 =	seq.s32 s10, $0x1;
	s10 =	sld [smem:$0x3FB3];
	_ =	sdelay $0x3  }
0x34: {  	[smem:$0x3FB3] =	sst s10  }
0x35: {  	s10 =	sld [smem:$0x3FB2];
	_ =	sdelay $0x3  }
0x36: {  	p1 =	seq.s32 s10, $0x1;
	s10 =	sld [smem:$0x3FB3];
	_ =	sdelay $0x3  }
0x37: {  	[smem:$0x3FB3] =	sst s10  }
0x38: {  	s10 =	sld [smem:$0x3FB4]  }
0x39: {  	_ = 	snop;
	(pc) =	sbr.ind lr, $3  }
0x3a: {  	_ = 	snop  }
0x3b: {  	_ = 	snop  }
0x3c: {  	p2 =	seq.s32 s10, $0x1;
	s10 =	sld [smem:$0x3FB3]  }
0x3d: {  	_ =	shalt  }
0x3e: {  	_ =	shalt  }
0x3f: {  	_ =	shalt  }
0x40: {  	_ =	shalt  }
0x41: {  	_ =	shalt  }
0x42: {  	_ =	shalt  }
0x43: {  	_ =	shalt  }
0x44: {  	_ =	shalt  }
0x45: {  	_ =	shalt  }
0x46: {  	_ =	shalt  }
0x47: {  	_ =	shalt  }
0x48: {  	_ =	shalt  }
0x49: {  	_ =	shalt  }
0x4a: {  	_ =	shalt  }
0x4b: {  	_ =	shalt  }
0x4c: {  	_ =	shalt  }
0x4d: {  	_ =	shalt  }
0x4e: {  	_ =	shalt  }
0x4f: {  	_ =	shalt  }
0x50: {  	_ =	shalt  }
0x51: {  	_ =	shalt  }
0x52: {  	_ =	shalt  }
0x53: {  	_ =	shalt  }
0x54: {  	_ =	shalt  }
0x55: {  	_ =	shalt  }
0x56: {  	_ =	shalt  }
0x57: {  	_ =	shalt  }
0x58: {  	_ =	shalt  }
0x59: {  	_ =	shalt  }
0x5a: {  	_ =	shalt  }
0x5b: {  	_ =	shalt  }
0x5c: {  	_ =	shalt  }
0x5d: {  	_ =	shalt  }
0x5e: {  	_ =	shalt  }
0x5f: {  	_ =	shalt  }
0x60: {  	_ =	shalt  }
0x61: {  	_ =	shalt  }
0x62: {  	_ =	shalt  }
0x63: {  	_ =	shalt  }
0x64: {  	_ =	shalt  }
0x65: {  	_ =	shalt  }
0x66: {  	_ =	shalt  }
0x67: {  	_ =	shalt  }
0x68: {  	_ =	shalt  }
0x69: {  	_ =	shalt  }
0x6a: {  	_ =	shalt  }
0x6b: {  	_ =	shalt  }
0x6c: {  	_ =	shalt  }
0x6d: {  	_ =	shalt  }
0x6e: {  	_ =	shalt  }
0x6f: {  	_ =	shalt  }
0x70: {  	_ =	shalt  }
0x71: {  	_ =	shalt  }
0x72: {  	_ =	shalt  }
0x73: {  	_ =	shalt  }
0x74: {  	_ =	shalt  }
0x75: {  	_ =	shalt  }
0x76: {  	_ =	shalt  }
0x77: {  	_ =	shalt  }
0x78: {  	_ =	shalt  }
0x79: {  	_ =	shalt  }
0x7a: {  	_ =	shalt  }
0x7b: {  	_ =	shalt  }
0x7c: {  	_ =	shalt  }
0x7d: {  	_ =	shalt  }
0x7e: {  	_ =	shalt  }
0x7f: {  	_ =	shalt  }
0x80: {  	_ =	shalt  }
0x81: {  	_ =	shalt  }
0x82: {  	_ =	shalt  }
0x83: {  	_ =	shalt  }
0x84: {  	_ =	shalt  }
0x85: {  	_ =	shalt  }
0x86: {  	_ =	shalt  }
0x87: {  	_ =	shalt  }
.Lfunc_end0:
.L_simem_size_0:
called_computation_lowered:
.L_overlay_start_0:
0x88: {  	s2 =	sld [smem:$0x3FD9]  }
0x89: {  	s3 =	sld [smem:$0x3FFE];
	_ =	sdelay $0x1  }
0x8a: {  	s1 =	srdreg.scid  }
0x8b: {  	s0 =	sand.u32 $0x1, s1  }
0x8c: {  	s17 =	sshll.u32 s0, $0xA;
	s2 =	sadd.s32 s3, s2  }
0x8d: {  	s2 =	sadd.s32 s2, s17  }
0x8e: {  	[smem:$0x3FBF] =	sst s2  }
0x8f: {  	_ = 	snop  }
0x90: {  	s2 =	sld [smem:$0x3FC9]  }
0x91: {  	s18 =	sld [smem:$0x3FC7];
	(tm) =	ssettm $0x1  }
0x92: {  	s4 =	sld [smem:$0x3FFB];
	_ =	sdelay $0x3  }
0x93: {  	_ =	strace s4  }
0x94: {  	s4 =	sld [smem:$0x3FFC];
	_ =	sdelay $0x3  }
0x95: {  	_ =	strace s4  }
0x96: {  	s4 =	sld [smem:$0x3FFD];
	_ =	sdelay $0x3  }
0x97: {  	_ =	strace s4  }
0x98: {  	_ =	strace $0x8FFFFFFF  }
0x99: {  	s19 =	sld [smem:$0x3FDB];
	_ =	sdelay $0x1  }
0x9a: {  	s5 =	simm.s32 $_scs_section_size  }
0x9b: {  	s6 =	simm.s32 $_size__tile_overlayer_lowered;
	s7 =	simm.s32 $_tile_overlayer_lowered  }
0x9c: {  	s22 =	simm.s32 $0x1BFF;
	s21 =	sshll.u32 s7, $0x1;
	s4 =	sadd.s32 s5, s19  }
0x9d: {  	s8 =	simm.s32 $0x0;
	s20 =	sshll.u32 s6, $0x1;
	s6 =	sadd.s32 s21, s4  }
0x9e: {  	[timem:s8], [sflag:s22] =	dma.local [hbm:s6], s20  }
0x9f: {  	_ =	swait.ge [sflag:s22], s20  }
0xa0: {  	s5 =	ssub.s32 $0x0, s20;
	[sflag:s22] =	ssyncset.done $0x0  }
0xa1: {  	[sflag:s22] =	ssyncadd.s32 s5;
	_ =	sdelay $0x1  }
0xa2: {  	s23 =	simm.s32 $0x1B8B  }
0xa3: {  	_ =	swait.ge [sflag:s23], $0x1  }
0xa4: {  	[sflag:s23] =	ssyncset.done $0x0  }
0xa5: {  	s25 =	simm.s32 $0x1B8E;
	s24 =	sld [smem:$0x3FFE];
	[sflag:s23] =	ssyncadd.s32 $0xFFFFFFFF  }
0xa6: {  	s26 =	simm.s32 $execute0_lowered;
	[smem:$0x3FD2] =	sst s25  }
0xa7: {  	s6 =	sshll.u32 s26, $0x1;
	_ =	strace $0x80000046;
	[dreg:$0x1] =	wrdreg $0xFFFFFFFF  }
0xa8: {  	s28 =	simm.s32 $_size_execute0_lowered;
	s4 =	sadd.s32 s4, s6;
	[dreg:$0x0] =	wrdreg $0x0  }
0xa9: {  	s6 =	sshll.u32 s28, $0x1;
	[dreg:$0x2] =	wrdreg s4  }
0xaa: {  	[dreg:$0x3] =	wrdreg s6  }
0xab: {  	[dreg:$0x4] =	wrdreg $0xC0  }
0xac: {  	_ =	task [dreg:s8], $0x5FFFF  }
0xad: {  	[dreg:$0x1] =	wrdreg $0xFFFFFFFF  }
0xae: {  	[dreg:$0x0] =	wrdreg $0x60  }
0xaf: {  	[dreg:$0x2] =	wrdreg s18  }
0xb0: {  	[dreg:$0x3] =	wrdreg s24  }
0xb1: {  	[dreg:$0x4] =	wrdreg s2  }
0xb2: {  	[dreg:$0x5] =	wrdreg $0x9  }
0xb3: {  	_ =	task.clear_ibuf [dreg:s8], $0x6FFFF;
	_ =	strace $0x90000046  }
0xb4: {  	s29 =	simm.s32 $0x9;
	_ =	strace $0x80000048  }
0xb5: {  	_ =	swait.ge [sflag:s29], $0x1  }
0xb6: {  	[sflag:s29] =	ssyncadd.s32 $0xFFFFFFFF  }
0xb7: {  	_ =	strace $0x90000048  }
0xb8: {  	_ =	sfence  }
0xb9: {  	s30 =	sld [smem:$0x0];
	_ =	sdelay $0x2  }
0xba: {  	s31 =	sshll.u32 s1, $0xD;
	s1 =	sshrl.u32 s1, $0x2  }
0xbb: {  	s3 =	sand.u32 $0x4000, s31;
	s1 =	sadd.s32 s1, s30  }
0xbc: {  	s0 =	sor.u32 s3, s0;
	s1 =	sshll.u32 s1, $0x11  }
0xbd: {  	s0 =	sor.u32 s1, s0  }
0xbe: {  	s0 =	sadd.s32 $0x8F2B, s0  }
0xbf: {  	[sflag:s0] =	ssyncadd.remote.s32 $0x1  }
0xc0: {  	_ =	sfence.sel $0xFFFF  }
0xc1: {  	[dreg:$0x0] =	wrdreg $0xFFFFFFFF;
	(pc) =	sbr.abs _section_cstart, $3  }
0xc2: {  	[dreg:$0x1] =	wrdreg $0xFFFFFFFF  }
0xc3: {  	_ =	task.clear_ibuf [dreg:s8], $0x2FFFF;
	_ =	strace $0x9FFFFFFF  }
0xc4: {  	(tm) =	ssettm $0x7FFFFFFF  }
0xc5: {  	_ =	shalt  }
tec
execute0_lowered:
.L_overlay_start_1:
0x0: {  	(tag) =	ssettag $0x1  }
0x1: {  	s0 =	srdreg.scid;
	s5 =	stileid.u32  }
0x2: {  	s24 =	stileid.u32;
	s9 =	stileid.u32  }
0x3: {  	s3 =	sand.u32 $0x1, s0;
	s23 =	sshrl.u32 s5, $0x2;
	s1 =	sshll.u32 s5, $0x8  }
0x4: {  	s6 =	sshrl.u32 s5, $0x3;
	s2 =	smul.u32 $0xC3800, s23;
	s4 =	sshll.u32 s3, $0x7  }
0x5: {  	s1 =	sand.u32 $0x300, s1;
	s0 =	sshll.u32 s23, $0xF;
	s17 =	smul.u32 $0xC3800, s6  }
0x6: {  	s25 =	ssub.s32 $0x2, s3;
	s26 =	smul.u32 $0x187000, s3;
	s5 =	sor.u32 $0x2, s3  }
0x7: {  	s14 =	sor.u32 $0x8, s3;
	s6 =	sor.u32 $0xC, s3;
	s8 =	smul.u32 $0x187000, s5  }
0x8: {  	s15 =	sor.u32 $0x10, s3;
	s1 =	sor.u32 s4, s1;
	s16 =	smul.u32 $0x187000, s14  }
0x9: {  	s7 =	sshrl.u32 s25, $0x1;
	s4 =	sshll.u32 s24, $0x7;
	s20 =	smul.u32 $0x187000, s6  }
0xa: {  	s24 =	smul.u32 $0x187000, s15;
	s14 =	sshll.u32 s14, $0x10;
	s15 =	sshll.u32 s15, $0x10  }
0xb: {  	s2 =	sor.u32 s2, s1;
	s0 =	sor.u32 s0, s1;
	s1 =	sor.u32 $0x4, s3  }
0xc: {  	s13 =	sand.u32 $0x380, s4;
	s11 =	sadd.s32 s26, s17;
	[smem:$0x7FD] =	sst s2  }
0xd: {  	[dreg:$0x1f] =	wrdreg s0;
	s2 =	ssub.s32 s25, s7;
	s10 =	smul.u32 $0x187000, s1  }
0xe: {  	s7 =	sor.u32 $0xA, s3;
	s19 =	sor.u32 s13, s11;
	s11 =	sor.u32 $0xE, s3  }
0xf: {  	s21 =	sadd.s32 s17, s8;
	s8 =	sor.u32 $0x12, s3;
	s28 =	sadd.s32 s17, s16  }
0x10: {  	s16 =	sor.u32 $0x18, s3;
	s20 =	sadd.s32 s17, s20;
	s18 =	smul.u32 $0x187000, s7  }
0x11: {  	s24 =	sadd.s32 s17, s24;
	s0 =	sshll.u32 s9, $0xC;
	s22 =	smul.u32 $0x187000, s11  }
0x12: {  	[dreg:$0x1e] =	wrdreg s2;
	s2 =	sor.u32 $0x6, s3;
	s26 =	smul.u32 $0x187000, s8  }
0x13: {  	s31 =	smul.u32 $0x187000, s16;
	s19 =	sshrl.u32 s19, $0x3;
	s21 =	sor.u32 s13, s21  }
0x14: {  	s0 =	sand.u32 $0x8000, s0;
	s16 =	sshll.u32 s16, $0x10;
	s12 =	smul.u32 $0x187000, s2  }
0x15: {  	s23 =	sadd.s32 s17, s10;
	s10 =	sor.u32 $0x14, s3;
	s9 =	sshrl.u32 s21, $0x3  }
0x16: {  	s14 =	sor.u32 s0, s14;
	s15 =	sor.u32 s0, s15;
	s29 =	smul.u32 $0x187000, s10  }
0x17: {  	s18 =	sadd.s32 s17, s18;
	s25 =	sadd.s32 s17, s12;
	s12 =	sor.u32 $0x16, s3  }
0x18: {  	s22 =	sadd.s32 s17, s22;
	s26 =	sadd.s32 s17, s26;
	s30 =	smul.u32 $0x187000, s12  }
0x19: {  	s23 =	sor.u32 s13, s23;
	s18 =	sor.u32 s13, s18;
	s29 =	sadd.s32 s17, s29  }
0x1a: {  	s30 =	sadd.s32 s17, s30;
	s17 =	sadd.s32 s17, s31;
	s31 =	rddreg [dreg:$0x0]  }
0x1b: {  	s22 =	sor.u32 s13, s22;
	s4 =	sor.u32 s13, s25;
	s19 =	sadd.s32 s31, s19  }
0x1c: {  	s21 =	sadd.s32 s31, s9;
	s9 =	sor.u32 s13, s28;
	s28 =	rddreg [dreg:$0x2]  }
0x1d: {  	s18 =	sshrl.u32 s18, $0x3;
	s17 =	sor.u32 s13, s17;
	[dreg:$0x4] =	wrdreg s19  }
0x1e: {  	[dreg:$0x5] =	wrdreg s21;
	s19 =	sshrl.u32 s23, $0x3;
	s21 =	sshrl.u32 s4, $0x3  }
0x1f: {  	s9 =	sshrl.u32 s9, $0x3;
	s23 =	sadd.s32 s31, s18;
	s4 =	sor.u32 s13, s30  }
0x20: {  	s17 =	sshrl.u32 s17, $0x3;
	s19 =	sadd.s32 s31, s19;
	[dreg:$0x9] =	wrdreg s23  }
0x21: {  	s25 =	sadd.s32 s31, s21;
	s21 =	sor.u32 s13, s20;
	[dreg:$0x6] =	wrdreg s19  }
0x22: {  	s20 =	sor.u32 s13, s24;
	[dreg:$0x7] =	wrdreg s25;
	s19 =	sadd.s32 s31, s9  }
0x23: {  	s9 =	sshrl.u32 s22, $0x3;
	s18 =	sshrl.u32 s20, $0x3;
	s22 =	sor.u32 s13, s29  }
0x24: {  	s20 =	sadd.s32 s31, s17;
	s29 =	smov.u32 s5;
	[dreg:$0x8] =	wrdreg s19  }
0x25: {  	s19 =	sshrl.u32 s21, $0x3;
	s21 =	sor.u32 s13, s26;
	s23 =	sadd.s32 s31, s18  }
0x26: {  	s18 =	sshrl.u32 s4, $0x3;
	[dreg:$0x10] =	wrdreg s20;
	s4 =	sshll.u32 s8, $0x10  }
0x27: {  	s25 =	sadd.s32 s31, s19;
	s19 =	sadd.s32 s31, s9;
	[dreg:$0xc] =	wrdreg s23  }
0x28: {  	s9 =	sshll.u32 s3, $0x10;
	s18 =	sadd.s32 s31, s18;
	s23 =	sshll.u32 s2, $0x10  }
0x29: {  	s3 =	sshll.u32 s3, $0x4;
	s2 =	sshll.u32 s2, $0x4;
	[dreg:$0xa] =	wrdreg s25  }
0x2a: {  	[dreg:$0xb] =	wrdreg s19;
	s19 =	sshrl.u32 s21, $0x3;
	s25 =	sshrl.u32 s22, $0x3  }
0x2b: {  	[dreg:$0xf] =	wrdreg s18;
	s17 =	sor.u32 s9, s0;
	s21 =	sshll.u32 s5, $0x10  }
0x2c: {  	s22 =	sshll.u32 s1, $0x10;
	s20 =	sor.u32 s0, s23;
	s5 =	sshll.u32 s10, $0x10  }
0x2d: {  	s9 =	sshll.u32 s12, $0x10;
	s1 =	sshll.u32 s1, $0x4;
	s24 =	sadd.s32 s31, s19  }
0x2e: {  	s26 =	sadd.s32 s31, s25;
	s18 =	sor.u32 s0, s21;
	s19 =	sor.u32 s0, s22  }
0x2f: {  	s25 =	sshll.u32 s6, $0x10;
	s1 =	sadd.s32 s28, s1;
	[dreg:$0xd] =	wrdreg s24  }
0x30: {  	[dreg:$0xe] =	wrdreg s26;
	s24 =	sshll.u32 s7, $0x10;
	s22 =	sor.u32 s0, s25  }
0x31: {  	s26 =	sshll.u32 s11, $0x10;
	s25 =	sor.u32 s0, s5;
	s21 =	sor.u32 s0, s24  }
0x32: {  	s23 =	sor.u32 s0, s26;
	s24 =	sor.u32 s0, s4;
	s26 =	sor.u32 s0, s9  }
0x33: {  	s0 =	sor.u32 s0, s16;
	s16 =	sor.u32 s13, s17;
	s17 =	sor.u32 s13, s18  }
0x34: {  	s18 =	sor.u32 s13, s19;
	s19 =	sor.u32 s13, s20;
	s20 =	sor.u32 s13, s14  }
0x35: {  	s14 =	sor.u32 s13, s22;
	s4 =	sor.u32 s13, s15;
	s9 =	sor.u32 s13, s25  }
0x36: {  	s21 =	sor.u32 s13, s21;
	s23 =	sor.u32 s13, s23;
	s5 =	sor.u32 s13, s24  }
0x37: {  	s24 =	sor.u32 s13, s26;
	s15 =	sor.u32 s13, s0;
	s13 =	sld [smem:$0x7FD]  }
0x38: {  	s6 =	sshll.u32 s6, $0x4;
	s7 =	sshll.u32 s7, $0x4;
	[dreg:$0x1a] =	wrdreg s1  }
0x39: {  	s11 =	sshll.u32 s11, $0x4;
	s6 =	sand.u32 $0x50, s6;
	s22 =	rddreg [dreg:$0x1f]  }
0x3a: {  	s7 =	sand.u32 $0x30, s7;
	s26 =	rddreg [dreg:$0x1];
	s0 =	sshrl.u32 s13, $0x3  }
0x3b: {  	s13 =	sadd.s32 s0, s26;
	s0 =	sshrl.u32 s22, $0x3;
	s22 =	sadd.s32 $0x1000, s28  }
0x3c: {  	s25 =	sand.u32 $0x70, s11;
	s14 =	sshrl.u32 s14, $0x3;
	s7 =	sadd.s32 s7, s22  }
0x3d: {  	s4 =	sshrl.u32 s4, $0x3;
	s6 =	sadd.s32 s6, s22;
	[dreg:$0x11] =	wrdreg s7  }
0x3e: {  	s5 =	sshrl.u32 s5, $0x3;
	s11 =	sadd.s32 s25, s22;
	[dreg:$0x12] =	wrdreg s6  }
0x3f: {  	s25 =	sshll.u32 s8, $0x4;
	s8 =	sadd.s32 s3, s22;
	[dreg:$0x13] =	wrdreg s11  }
0x40: {  	s22 =	sshll.u32 s12, $0x4;
	s12 =	sadd.s32 s28, s0;
	[dreg:$0x14] =	wrdreg s8  }
0x41: {  	s6 =	sand.u32 $0x30, s25;
	s11 =	sshll.u32 s10, $0x4;
	s25 =	sadd.s32 $0x2000, s28  }
0x42: {  	s8 =	sand.u32 $0x70, s22;
	s22 =	sadd.s32 s28, s3;
	[dreg:$0x1b] =	wrdreg s12  }
0x43: {  	s12 =	sshrl.u32 s21, $0x3;
	s7 =	sand.u32 $0x50, s11;
	s6 =	sadd.s32 s6, s25  }
0x44: {  	s10 =	sadd.s32 s3, s25;
	s11 =	sshll.u32 s29, $0x4;
	[dreg:$0x15] =	wrdreg s6  }
0x45: {  	s7 =	sadd.s32 s7, s25;
	s6 =	sadd.s32 s8, s25;
	[dreg:$0x18] =	wrdreg s10  }
0x46: {  	s3 =	sadd.s32 s28, s11;
	s25 =	sadd.s32 s28, s2;
	s10 =	sadd.s32 s0, s26  }
0x47: {  	s8 =	sadd.s32 $0x63200, s26;
	s2 =	sshrl.u32 s16, $0x3;
	[dreg:$0x16] =	wrdreg s7  }
0x48: {  	s28 =	simm.s32 $0x0;
	s11 =	sshrl.u32 s20, $0x3;
	[dreg:$0x17] =	wrdreg s6  }
0x49: {  	s16 =	sshrl.u32 s23, $0x3;
	s20 =	sadd.s32 $0x1600, s13;
	[dreg:$0x19] =	wrdreg s3  }
0x4a: {  	s13 =	simm.s32 $0x18700;
	s3 =	sshrl.u32 s17, $0x3;
	[smem:$0x7FF] =	sst s28  }
0x4b: {  	s29 =	sadd.s32 s8, s2;
	s6 =	sshrl.u32 s18, $0x3;
	s7 =	sshrl.u32 s19, $0x3  }
0x4c: {  	s26 =	sadd.s32 s8, s11;
	s1 =	sadd.s32 s8, s12;
	s2 =	sadd.s32 s8, s14  }
0x4d: {  	s17 =	sshrl.u32 s9, $0x3;
	s4 =	sadd.s32 s8, s4;
	s5 =	sadd.s32 s8, s5  }
0x4e: {  	s18 =	sshrl.u32 s24, $0x3;
	s19 =	sshrl.u32 s15, $0x3;
	s21 =	sadd.s32 $0x97200, s10  }
0x4f: {  	s24 =	stileid.u32;
	s10 =	sadd.s32 $0x3000, s22;
	s11 =	simm.s32 $0x80  }
0x50: {  	s12 =	simm.s32 $0x400;
	s14 =	simm.s32 $0x4;
	s15 =	simm.s32 $0x1  }
0x51: {  	s30 =	sadd.s32 s8, s3;
	s31 =	sadd.s32 s8, s6;
	s0 =	sadd.s32 s8, s7  }
0x52: {  	s3 =	sadd.s32 s8, s16;
	s6 =	sadd.s32 s8, s17;
	s7 =	sadd.s32 s8, s18  }
0x53: {  	s8 =	sadd.s32 s8, s19;
	_ =	strace $0x80000047;
	[dreg:$0x1c] =	wrdreg s20  }
0x54: {  	[dreg:$0x1d] =	wrdreg s21;
	p0 =	sgt.u32 s24, $0xC;
	s16 =	simm.s32 $0x19700  }
0x55: {  	s17 =	simm.s32 $0x1A700;
	s18 =	simm.s32 $0x2;
	s23 =	rddreg [dreg:$0x1e]  }
0x56: {  	s19 =	simm.s32 $0x3;
	s20 =	simm.s32 $0x0;
	s9 =	smax.u32 s23, $0x1  }
.LBB2_1:
.Ltmp0:
0x57: {  	(pc) =	sbr.rel @p0 .LBB2_5-.Ltmp0, $1  }
0x58: {  	_ =	sdelay $0x3  }
0x59: {  	s21 =	simm.s32 $0x0;
	s23 =	rddreg [dreg:$0x1c]  }
0x5a: {  	[tilespmem:s21], [sflag:$0x1] =	stream.strided.gather [hbm4b:s23+s11], $0x18700, s12, s11, $0x38;
	[tilespmem:$0x1B700] =	vst v63  }
0x5b: {  	s24 =	rddreg [dreg:$0x1b]  }
0x5c: {  	[tilespmem:s13], [sflag:$0x4] =	stream.strided.gather [hbm4b:s24+s11], $0x1000, s12, s11, $0x38;
	[tilespmem:$0x1B700] =	vst v63  }
0x5d: {  	_ =	swait.ge [sflag:s14], $0x1000  }
0x5e: {  	[sflag:s14] =	ssyncset.done $0x0  }
0x5f: {  	[sflag:s14] =	ssyncadd.s32 $0xFFFFF000  }
0x60: {  	_ =	swait.ge [sflag:s15], $0x18700  }
0x61: {  	[sflag:s15] =	ssyncset.done $0x0  }
0x62: {  	s21 =	simm.s32 $0x0;
	[sflag:s15] =	ssyncadd.s32 $0xFFFE7900  }
0x63: {  	v0 =	vld [tilespmem:s21+$0x18700];
	_ =	sdelay $0x7  }
0x64: {  	s23 =	simm.s32 $0x10;
	s24 =	simm.s32 $0x80;
	v0 =	vld.idx.msk [tilespmem:v0+s28+$0x0], $0xffff  }
.LBB2_3:
0x65: {  	p1 =	sne.s32 s24, $0x3FC0;
	v1 =	vld [tilespmem:s23+$0x18700];
	_ =	sdelay $0x3  }
.Ltmp1:
0x66: {  	(pc) =	sbr.rel @p1 .LBB2_3-.Ltmp1, $2  }
0x67: {  	[tilespmem:s21+$0x19700] =	vst v0;
	s21 =	smov.u32 s23;
	_ =	sdelay $0x2  }
0x68: {  	s23 =	sshra.s32 s24, $0x2;
	s24 =	sadd.s32 $0x40, s24;
	v0 =	vld.idx.msk [tilespmem:v1+s28+$0x0], $0xffff  }
0x69: {  	v1 =	vld [tilespmem:s23+$0x18700];
	_ =	sdelay $0x6  }
0x6a: {  	[tilespmem:s21+$0x19700] =	vst v0  }
0x6b: {  	v0 =	vld.idx.msk [tilespmem:v1+s28+$0x0], $0xffff;
	_ =	sdelay $0x4  }
0x6c: {  	s24 =	rddreg [dreg:$0x1d];
	[tilespmem:s23+$0x19700] =	vst v0  }
0x6d: {  	[hbm4b:s24+s11] =	stream.strided.scatter [tilespmem:s16], [sflag:$0x4], $0x1000, s12, s11, $0x38;
	[tilespmem:$0x1B700] =	vst v63  }
0x6e: {  	_ =	swait.ge [sflag:s14], $0x1000  }
0x6f: {  	[sflag:s14] =	ssyncset.done $0x0  }
0x70: {  	[sflag:s14] =	ssyncadd.s32 $0xFFFFF000  }
.LBB2_5:
0x71: {  	s21 =	simm.s32 $0x0;
	s23 =	rddreg [dreg:$0x4]  }
0x72: {  	[tilespmem:s21], [sflag:$0x1] =	stream.strided.gather [hbm4b:s23+s11], $0x18700, s12, s11, $0x38;
	[tilespmem:$0x1B700] =	vst v63  }
0x73: {  	_ = 	snop  }
0x74: {  	[tilespmem:s13], [sflag:$0x4] =	stream.strided.gather [hbm4b:s22+s11], $0x1000, s12, s11, $0x38;
	[tilespmem:$0x1B700] =	vst v63  }
0x75: {  	_ =	swait.ge [sflag:s14], $0x1000  }
0x76: {  	[sflag:s14] =	ssyncset.done $0x0  }
0x77: {  	[sflag:s14] =	ssyncadd.s32 $0xFFFFF000  }
0x78: {  	_ =	swait.ge [sflag:s15], $0x18700  }
0x79: {  	[sflag:s15] =	ssyncset.done $0x0  }
0x7a: {  	s21 =	simm.s32 $0x0;
	[sflag:s15] =	ssyncadd.s32 $0xFFFE7900  }
0x7b: {  	v0 =	vld [tilespmem:s21+$0x18700];
	_ =	sdelay $0x7  }
0x7c: {  	s24 =	simm.s32 $0x80;
	s23 =	simm.s32 $0x10;
	v0 =	vld.idx.msk [tilespmem:v0+s28+$0x0], $0xffff  }
.LBB2_6:
0x7d: {  	p1 =	sne.s32 s24, $0x3FC0;
	v1 =	vld [tilespmem:s23+$0x18700];
	_ =	sdelay $0x3  }
.Ltmp2:
0x7e: {  	(pc) =	sbr.rel @p1 .LBB2_6-.Ltmp2, $2  }
0x7f: {  	[tilespmem:s21+$0x19700] =	vst v0;
	s21 =	smov.u32 s23;
	_ =	sdelay $0x2  }
0x80: {  	s23 =	sshra.s32 s24, $0x2;
	s24 =	sadd.s32 $0x40, s24;
	v0 =	vld.idx.msk [tilespmem:v1+s28+$0x0], $0xffff  }
0x81: {  	v1 =	vld [tilespmem:s23+$0x18700];
	_ =	sdelay $0x6  }
0x82: {  	[tilespmem:s21+$0x19700] =	vst v0  }
0x83: {  	v0 =	vld.idx.msk [tilespmem:v1+s28+$0x0], $0xffff;
	_ =	sdelay $0x4  }
0x84: {  	[tilespmem:s23+$0x19700] =	vst v0  }
0x85: {  	[hbm4b:s29+s11] =	stream.strided.scatter [tilespmem:s16], [sflag:$0x2], $0x1000, s12, s11, $0x38;
	[tilespmem:$0x1B700] =	vst v63  }
0x86: {  	s24 =	rddreg [dreg:$0x5];
	s23 =	simm.s32 $0x0  }
0x87: {  	[tilespmem:s23], [sflag:$0x1] =	stream.strided.gather [hbm4b:s24+s11], $0x18700, s12, s11, $0x38;
	[tilespmem:$0x1B700] =	vst v63  }
0x88: {  	s24 =	rddreg [dreg:$0x19]  }
0x89: {  	[tilespmem:s13], [sflag:$0x4] =	stream.strided.gather [hbm4b:s24+s11], $0x1000, s12, s11, $0x38;
	[tilespmem:$0x1B700] =	vst v63  }
0x8a: {  	_ =	swait.ge [sflag:s14], $0x1000  }
0x8b: {  	[sflag:s14] =	ssyncset.done $0x0  }
0x8c: {  	[sflag:s14] =	ssyncadd.s32 $0xFFFFF000  }
0x8d: {  	_ =	swait.ge [sflag:s15], $0x18700  }
0x8e: {  	[sflag:s15] =	ssyncset.done $0x0  }
0x8f: {  	s21 =	simm.s32 $0x0;
	[sflag:s15] =	ssyncadd.s32 $0xFFFE7900  }
0x90: {  	v0 =	vld [tilespmem:s21+$0x18700];
	_ =	sdelay $0x7  }
0x91: {  	s23 =	simm.s32 $0x10;
	s24 =	simm.s32 $0x80;
	v0 =	vld.idx.msk [tilespmem:v0+s28+$0x0], $0xffff  }
.LBB2_8:
0x92: {  	p1 =	sne.s32 s24, $0x3FC0;
	v1 =	vld [tilespmem:s23+$0x18700];
	_ =	sdelay $0x3  }
.Ltmp3:
0x93: {  	(pc) =	sbr.rel @p1 .LBB2_8-.Ltmp3, $2  }
0x94: {  	[tilespmem:s21+$0x1A700] =	vst v0;
	s21 =	smov.u32 s23;
	_ =	sdelay $0x2  }
0x95: {  	s23 =	sshra.s32 s24, $0x2;
	s24 =	sadd.s32 $0x40, s24;
	v0 =	vld.idx.msk [tilespmem:v1+s28+$0x0], $0xffff  }
0x96: {  	v1 =	vld [tilespmem:s23+$0x18700];
	_ =	sdelay $0x6  }
0x97: {  	[tilespmem:s21+$0x1A700] =	vst v0  }
0x98: {  	v0 =	vld.idx.msk [tilespmem:v1+s28+$0x0], $0xffff;
	_ =	sdelay $0x4  }
0x99: {  	[tilespmem:s23+$0x1A700] =	vst v0  }
0x9a: {  	[hbm4b:s30+s11] =	stream.strided.scatter [tilespmem:s17], [sflag:$0x3], $0x1000, s12, s11, $0x38;
	[tilespmem:$0x1B700] =	vst v63  }
0x9b: {  	s24 =	rddreg [dreg:$0x6];
	s23 =	simm.s32 $0x0  }
0x9c: {  	[tilespmem:s23], [sflag:$0x1] =	stream.strided.gather [hbm4b:s24+s11], $0x18700, s12, s11, $0x38;
	[tilespmem:$0x1B700] =	vst v63  }
0x9d: {  	s24 =	rddreg [dreg:$0x1a]  }
0x9e: {  	[tilespmem:s13], [sflag:$0x4] =	stream.strided.gather [hbm4b:s24+s11], $0x1000, s12, s11, $0x38;
	[tilespmem:$0x1B700] =	vst v63  }
0x9f: {  	_ =	swait.ge [sflag:s14], $0x1000  }
0xa0: {  	[sflag:s14] =	ssyncset.done $0x0  }
0xa1: {  	[sflag:s14] =	ssyncadd.s32 $0xFFFFF000  }
0xa2: {  	_ =	swait.ge [sflag:s18], $0x1000  }
0xa3: {  	[sflag:s18] =	ssyncset.done $0x0  }
0xa4: {  	[sflag:s18] =	ssyncadd.s32 $0xFFFFF000  }
0xa5: {  	_ =	swait.ge [sflag:s15], $0x18700  }
0xa6: {  	[sflag:s15] =	ssyncset.done $0x0  }
0xa7: {  	s21 =	simm.s32 $0x0;
	[sflag:s15] =	ssyncadd.s32 $0xFFFE7900  }
0xa8: {  	v0 =	vld [tilespmem:s21+$0x18700];
	_ =	sdelay $0x7  }
0xa9: {  	s23 =	simm.s32 $0x10;
	s24 =	simm.s32 $0x80;
	v0 =	vld.idx.msk [tilespmem:v0+s28+$0x0], $0xffff  }
.LBB2_10:
0xaa: {  	p1 =	sne.s32 s24, $0x3FC0;
	v1 =	vld [tilespmem:s23+$0x18700];
	_ =	sdelay $0x3  }
.Ltmp4:
0xab: {  	(pc) =	sbr.rel @p1 .LBB2_10-.Ltmp4, $2  }
0xac: {  	[tilespmem:s21+$0x19700] =	vst v0;
	s21 =	smov.u32 s23;
	_ =	sdelay $0x2  }
0xad: {  	s23 =	sshra.s32 s24, $0x2;
	s24 =	sadd.s32 $0x40, s24;
	v0 =	vld.idx.msk [tilespmem:v1+s28+$0x0], $0xffff  }
0xae: {  	v1 =	vld [tilespmem:s23+$0x18700];
	_ =	sdelay $0x6  }
0xaf: {  	[tilespmem:s21+$0x19700] =	vst v0  }
0xb0: {  	v0 =	vld.idx.msk [tilespmem:v1+s28+$0x0], $0xffff;
	_ =	sdelay $0x4  }
0xb1: {  	[tilespmem:s23+$0x19700] =	vst v0  }
0xb2: {  	[hbm4b:s31+s11] =	stream.strided.scatter [tilespmem:s16], [sflag:$0x2], $0x1000, s12, s11, $0x38;
	[tilespmem:$0x1B700] =	vst v63  }
0xb3: {  	s24 =	rddreg [dreg:$0x7];
	s23 =	simm.s32 $0x0  }
0xb4: {  	[tilespmem:s23], [sflag:$0x1] =	stream.strided.gather [hbm4b:s24+s11], $0x18700, s12, s11, $0x38;
	[tilespmem:$0x1B700] =	vst v63  }
0xb5: {  	_ = 	snop  }
0xb6: {  	[tilespmem:s13], [sflag:$0x4] =	stream.strided.gather [hbm4b:s25+s11], $0x1000, s12, s11, $0x38;
	[tilespmem:$0x1B700] =	vst v63  }
0xb7: {  	_ =	swait.ge [sflag:s14], $0x1000  }
0xb8: {  	[sflag:s14] =	ssyncset.done $0x0  }
0xb9: {  	[sflag:s14] =	ssyncadd.s32 $0xFFFFF000  }
0xba: {  	_ =	swait.ge [sflag:s19], $0x1000  }
0xbb: {  	[sflag:s19] =	ssyncset.done $0x0  }
0xbc: {  	[sflag:s19] =	ssyncadd.s32 $0xFFFFF000  }
0xbd: {  	_ =	swait.ge [sflag:s15], $0x18700  }
0xbe: {  	[sflag:s15] =	ssyncset.done $0x0  }
0xbf: {  	s21 =	simm.s32 $0x0;
	[sflag:s15] =	ssyncadd.s32 $0xFFFE7900  }
0xc0: {  	v0 =	vld [tilespmem:s21+$0x18700];
	_ =	sdelay $0x7  }
0xc1: {  	s23 =	simm.s32 $0x10;
	s24 =	simm.s32 $0x80;
	v0 =	vld.idx.msk [tilespmem:v0+s28+$0x0], $0xffff  }
.LBB2_12:
0xc2: {  	p1 =	sne.s32 s24, $0x3FC0;
	v1 =	vld [tilespmem:s23+$0x18700];
	_ =	sdelay $0x3  }
.Ltmp5:
0xc3: {  	(pc) =	sbr.rel @p1 .LBB2_12-.Ltmp5, $2  }
0xc4: {  	[tilespmem:s21+$0x1A700] =	vst v0;
	s21 =	smov.u32 s23;
	_ =	sdelay $0x2  }
0xc5: {  	s23 =	sshra.s32 s24, $0x2;
	s24 =	sadd.s32 $0x40, s24;
	v0 =	vld.idx.msk [tilespmem:v1+s28+$0x0], $0xffff  }
0xc6: {  	v1 =	vld [tilespmem:s23+$0x18700];
	_ =	sdelay $0x6  }
0xc7: {  	[tilespmem:s21+$0x1A700] =	vst v0  }
0xc8: {  	v0 =	vld.idx.msk [tilespmem:v1+s28+$0x0], $0xffff;
	_ =	sdelay $0x4  }
0xc9: {  	[tilespmem:s23+$0x1A700] =	vst v0  }
0xca: {  	[hbm4b:s0+s11] =	stream.strided.scatter [tilespmem:s17], [sflag:$0x3], $0x1000, s12, s11, $0x38;
	[tilespmem:$0x1B700] =	vst v63  }
0xcb: {  	s24 =	rddreg [dreg:$0x8];
	s23 =	simm.s32 $0x0  }
0xcc: {  	[tilespmem:s23], [sflag:$0x1] =	stream.strided.gather [hbm4b:s24+s11], $0x18700, s12, s11, $0x38;
	[tilespmem:$0x1B700] =	vst v63  }
0xcd: {  	s24 =	rddreg [dreg:$0x14]  }
0xce: {  	[tilespmem:s13], [sflag:$0x4] =	stream.strided.gather [hbm4b:s24+s11], $0x1000, s12, s11, $0x38;
	[tilespmem:$0x1B700] =	vst v63  }
0xcf: {  	_ =	swait.ge [sflag:s14], $0x1000  }
0xd0: {  	[sflag:s14] =	ssyncset.done $0x0  }
0xd1: {  	[sflag:s14] =	ssyncadd.s32 $0xFFFFF000  }
0xd2: {  	_ =	swait.ge [sflag:s18], $0x1000  }
0xd3: {  	[sflag:s18] =	ssyncset.done $0x0  }
0xd4: {  	[sflag:s18] =	ssyncadd.s32 $0xFFFFF000  }
0xd5: {  	_ =	swait.ge [sflag:s15], $0x18700  }
0xd6: {  	[sflag:s15] =	ssyncset.done $0x0  }
0xd7: {  	s21 =	simm.s32 $0x0;
	[sflag:s15] =	ssyncadd.s32 $0xFFFE7900  }
0xd8: {  	v0 =	vld [tilespmem:s21+$0x18700];
	_ =	sdelay $0x7  }
0xd9: {  	s23 =	simm.s32 $0x10;
	s24 =	simm.s32 $0x80;
	v0 =	vld.idx.msk [tilespmem:v0+s28+$0x0], $0xffff  }
.LBB2_14:
0xda: {  	p1 =	sne.s32 s24, $0x3FC0;
	v1 =	vld [tilespmem:s23+$0x18700];
	_ =	sdelay $0x3  }
.Ltmp6:
0xdb: {  	(pc) =	sbr.rel @p1 .LBB2_14-.Ltmp6, $2  }
0xdc: {  	[tilespmem:s21+$0x19700] =	vst v0;
	s21 =	smov.u32 s23;
	_ =	sdelay $0x2  }
0xdd: {  	s23 =	sshra.s32 s24, $0x2;
	s24 =	sadd.s32 $0x40, s24;
	v0 =	vld.idx.msk [tilespmem:v1+s28+$0x0], $0xffff  }
0xde: {  	v1 =	vld [tilespmem:s23+$0x18700];
	_ =	sdelay $0x6  }
0xdf: {  	[tilespmem:s21+$0x19700] =	vst v0  }
0xe0: {  	v0 =	vld.idx.msk [tilespmem:v1+s28+$0x0], $0xffff;
	_ =	sdelay $0x4  }
0xe1: {  	[tilespmem:s23+$0x19700] =	vst v0  }
0xe2: {  	[hbm4b:s26+s11] =	stream.strided.scatter [tilespmem:s16], [sflag:$0x2], $0x1000, s12, s11, $0x38;
	[tilespmem:$0x1B700] =	vst v63  }
0xe3: {  	s24 =	rddreg [dreg:$0x9];
	s23 =	simm.s32 $0x0  }
0xe4: {  	[tilespmem:s23], [sflag:$0x1] =	stream.strided.gather [hbm4b:s24+s11], $0x18700, s12, s11, $0x38;
	[tilespmem:$0x1B700] =	vst v63  }
0xe5: {  	s24 =	rddreg [dreg:$0x11]  }
0xe6: {  	[tilespmem:s13], [sflag:$0x4] =	stream.strided.gather [hbm4b:s24+s11], $0x1000, s12, s11, $0x38;
	[tilespmem:$0x1B700] =	vst v63  }
0xe7: {  	_ =	swait.ge [sflag:s14], $0x1000  }
0xe8: {  	[sflag:s14] =	ssyncset.done $0x0  }
0xe9: {  	[sflag:s14] =	ssyncadd.s32 $0xFFFFF000  }
0xea: {  	_ =	swait.ge [sflag:s19], $0x1000  }
0xeb: {  	[sflag:s19] =	ssyncset.done $0x0  }
0xec: {  	[sflag:s19] =	ssyncadd.s32 $0xFFFFF000  }
0xed: {  	_ =	swait.ge [sflag:s15], $0x18700  }
0xee: {  	[sflag:s15] =	ssyncset.done $0x0  }
0xef: {  	s21 =	simm.s32 $0x0;
	[sflag:s15] =	ssyncadd.s32 $0xFFFE7900  }
0xf0: {  	v0 =	vld [tilespmem:s21+$0x18700];
	_ =	sdelay $0x7  }
0xf1: {  	s23 =	simm.s32 $0x10;
	s24 =	simm.s32 $0x80;
	v0 =	vld.idx.msk [tilespmem:v0+s28+$0x0], $0xffff  }
.LBB2_16:
0xf2: {  	p1 =	sne.s32 s24, $0x3FC0;
	v1 =	vld [tilespmem:s23+$0x18700];
	_ =	sdelay $0x3  }
.Ltmp7:
0xf3: {  	(pc) =	sbr.rel @p1 .LBB2_16-.Ltmp7, $2  }
0xf4: {  	[tilespmem:s21+$0x1A700] =	vst v0;
	s21 =	smov.u32 s23;
	_ =	sdelay $0x2  }
0xf5: {  	s23 =	sshra.s32 s24, $0x2;
	s24 =	sadd.s32 $0x40, s24;
	v0 =	vld.idx.msk [tilespmem:v1+s28+$0x0], $0xffff  }
0xf6: {  	v1 =	vld [tilespmem:s23+$0x18700];
	_ =	sdelay $0x6  }
0xf7: {  	[tilespmem:s21+$0x1A700] =	vst v0  }
0xf8: {  	v0 =	vld.idx.msk [tilespmem:v1+s28+$0x0], $0xffff;
	_ =	sdelay $0x4  }
0xf9: {  	[tilespmem:s23+$0x1A700] =	vst v0  }
0xfa: {  	[hbm4b:s1+s11] =	stream.strided.scatter [tilespmem:s17], [sflag:$0x3], $0x1000, s12, s11, $0x38;
	[tilespmem:$0x1B700] =	vst v63  }
0xfb: {  	s24 =	rddreg [dreg:$0xa];
	s23 =	simm.s32 $0x0  }
0xfc: {  	[tilespmem:s23], [sflag:$0x1] =	stream.strided.gather [hbm4b:s24+s11], $0x18700, s12, s11, $0x38;
	[tilespmem:$0x1B700] =	vst v63  }
0xfd: {  	s24 =	rddreg [dreg:$0x12]  }
0xfe: {  	[tilespmem:s13], [sflag:$0x4] =	stream.strided.gather [hbm4b:s24+s11], $0x1000, s12, s11, $0x38;
	[tilespmem:$0x1B700] =	vst v63  }
0xff: {  	_ =	swait.ge [sflag:s14], $0x1000  }
0x100: {  	[sflag:s14] =	ssyncset.done $0x0  }
0x101: {  	[sflag:s14] =	ssyncadd.s32 $0xFFFFF000  }
0x102: {  	_ =	swait.ge [sflag:s18], $0x1000  }
0x103: {  	[sflag:s18] =	ssyncset.done $0x0  }
0x104: {  	[sflag:s18] =	ssyncadd.s32 $0xFFFFF000  }
0x105: {  	_ =	swait.ge [sflag:s15], $0x18700  }
0x106: {  	[sflag:s15] =	ssyncset.done $0x0  }
0x107: {  	s21 =	simm.s32 $0x0;
	[sflag:s15] =	ssyncadd.s32 $0xFFFE7900  }
0x108: {  	v0 =	vld [tilespmem:s21+$0x18700];
	_ =	sdelay $0x7  }
0x109: {  	s23 =	simm.s32 $0x10;
	s24 =	simm.s32 $0x80;
	v0 =	vld.idx.msk [tilespmem:v0+s28+$0x0], $0xffff  }
.LBB2_18:
0x10a: {  	p1 =	sne.s32 s24, $0x3FC0;
	v1 =	vld [tilespmem:s23+$0x18700];
	_ =	sdelay $0x3  }
.Ltmp8:
0x10b: {  	(pc) =	sbr.rel @p1 .LBB2_18-.Ltmp8, $2  }
0x10c: {  	[tilespmem:s21+$0x19700] =	vst v0;
	s21 =	smov.u32 s23;
	_ =	sdelay $0x2  }
0x10d: {  	s23 =	sshra.s32 s24, $0x2;
	s24 =	sadd.s32 $0x40, s24;
	v0 =	vld.idx.msk [tilespmem:v1+s28+$0x0], $0xffff  }
0x10e: {  	v1 =	vld [tilespmem:s23+$0x18700];
	_ =	sdelay $0x6  }
0x10f: {  	[tilespmem:s21+$0x19700] =	vst v0  }
0x110: {  	v0 =	vld.idx.msk [tilespmem:v1+s28+$0x0], $0xffff;
	_ =	sdelay $0x4  }
0x111: {  	[tilespmem:s23+$0x19700] =	vst v0  }
0x112: {  	[hbm4b:s2+s11] =	stream.strided.scatter [tilespmem:s16], [sflag:$0x2], $0x1000, s12, s11, $0x38;
	[tilespmem:$0x1B700] =	vst v63  }
0x113: {  	s24 =	rddreg [dreg:$0xb];
	s23 =	simm.s32 $0x0  }
0x114: {  	[tilespmem:s23], [sflag:$0x1] =	stream.strided.gather [hbm4b:s24+s11], $0x18700, s12, s11, $0x38;
	[tilespmem:$0x1B700] =	vst v63  }
0x115: {  	s24 =	rddreg [dreg:$0x13]  }
0x116: {  	[tilespmem:s13], [sflag:$0x4] =	stream.strided.gather [hbm4b:s24+s11], $0x1000, s12, s11, $0x38;
	[tilespmem:$0x1B700] =	vst v63  }
0x117: {  	_ =	swait.ge [sflag:s14], $0x1000  }
0x118: {  	[sflag:s14] =	ssyncset.done $0x0  }
0x119: {  	[sflag:s14] =	ssyncadd.s32 $0xFFFFF000  }
0x11a: {  	_ =	swait.ge [sflag:s19], $0x1000  }
0x11b: {  	[sflag:s19] =	ssyncset.done $0x0  }
0x11c: {  	[sflag:s19] =	ssyncadd.s32 $0xFFFFF000  }
0x11d: {  	_ =	swait.ge [sflag:s15], $0x18700  }
0x11e: {  	[sflag:s15] =	ssyncset.done $0x0  }
0x11f: {  	s21 =	simm.s32 $0x0;
	[sflag:s15] =	ssyncadd.s32 $0xFFFE7900  }
0x120: {  	v0 =	vld [tilespmem:s21+$0x18700];
	_ =	sdelay $0x7  }
0x121: {  	s23 =	simm.s32 $0x10;
	s24 =	simm.s32 $0x80;
	v0 =	vld.idx.msk [tilespmem:v0+s28+$0x0], $0xffff  }
.LBB2_20:
0x122: {  	p1 =	sne.s32 s24, $0x3FC0;
	v1 =	vld [tilespmem:s23+$0x18700];
	_ =	sdelay $0x3  }
.Ltmp9:
0x123: {  	(pc) =	sbr.rel @p1 .LBB2_20-.Ltmp9, $2  }
0x124: {  	[tilespmem:s21+$0x1A700] =	vst v0;
	s21 =	smov.u32 s23;
	_ =	sdelay $0x2  }
0x125: {  	s23 =	sshra.s32 s24, $0x2;
	s24 =	sadd.s32 $0x40, s24;
	v0 =	vld.idx.msk [tilespmem:v1+s28+$0x0], $0xffff  }
0x126: {  	v1 =	vld [tilespmem:s23+$0x18700];
	_ =	sdelay $0x6  }
0x127: {  	[tilespmem:s21+$0x1A700] =	vst v0  }
0x128: {  	v0 =	vld.idx.msk [tilespmem:v1+s28+$0x0], $0xffff;
	_ =	sdelay $0x4  }
0x129: {  	[tilespmem:s23+$0x1A700] =	vst v0  }
0x12a: {  	[hbm4b:s3+s11] =	stream.strided.scatter [tilespmem:s17], [sflag:$0x3], $0x1000, s12, s11, $0x38;
	[tilespmem:$0x1B700] =	vst v63  }
0x12b: {  	s24 =	rddreg [dreg:$0xc];
	s23 =	simm.s32 $0x0  }
0x12c: {  	[tilespmem:s23], [sflag:$0x1] =	stream.strided.gather [hbm4b:s24+s11], $0x18700, s12, s11, $0x38;
	[tilespmem:$0x1B700] =	vst v63  }
0x12d: {  	s24 =	rddreg [dreg:$0x18]  }
0x12e: {  	[tilespmem:s13], [sflag:$0x4] =	stream.strided.gather [hbm4b:s24+s11], $0x1000, s12, s11, $0x38;
	[tilespmem:$0x1B700] =	vst v63  }
0x12f: {  	_ =	swait.ge [sflag:s14], $0x1000  }
0x130: {  	[sflag:s14] =	ssyncset.done $0x0  }
0x131: {  	[sflag:s14] =	ssyncadd.s32 $0xFFFFF000  }
0x132: {  	_ =	swait.ge [sflag:s18], $0x1000  }
0x133: {  	[sflag:s18] =	ssyncset.done $0x0  }
0x134: {  	[sflag:s18] =	ssyncadd.s32 $0xFFFFF000  }
0x135: {  	_ =	swait.ge [sflag:s15], $0x18700  }
0x136: {  	[sflag:s15] =	ssyncset.done $0x0  }
0x137: {  	s21 =	simm.s32 $0x0;
	[sflag:s15] =	ssyncadd.s32 $0xFFFE7900  }
0x138: {  	v0 =	vld [tilespmem:s21+$0x18700];
	_ =	sdelay $0x7  }
0x139: {  	s23 =	simm.s32 $0x10;
	s24 =	simm.s32 $0x80;
	v0 =	vld.idx.msk [tilespmem:v0+s28+$0x0], $0xffff  }
.LBB2_22:
0x13a: {  	p1 =	sne.s32 s24, $0x3FC0;
	v1 =	vld [tilespmem:s23+$0x18700];
	_ =	sdelay $0x3  }
.Ltmp10:
0x13b: {  	(pc) =	sbr.rel @p1 .LBB2_22-.Ltmp10, $2  }
0x13c: {  	[tilespmem:s21+$0x19700] =	vst v0;
	s21 =	smov.u32 s23;
	_ =	sdelay $0x2  }
0x13d: {  	s23 =	sshra.s32 s24, $0x2;
	s24 =	sadd.s32 $0x40, s24;
	v0 =	vld.idx.msk [tilespmem:v1+s28+$0x0], $0xffff  }
0x13e: {  	v1 =	vld [tilespmem:s23+$0x18700];
	_ =	sdelay $0x6  }
0x13f: {  	[tilespmem:s21+$0x19700] =	vst v0  }
0x140: {  	v0 =	vld.idx.msk [tilespmem:v1+s28+$0x0], $0xffff;
	_ =	sdelay $0x4  }
0x141: {  	[tilespmem:s23+$0x19700] =	vst v0  }
0x142: {  	[hbm4b:s4+s11] =	stream.strided.scatter [tilespmem:s16], [sflag:$0x2], $0x1000, s12, s11, $0x38;
	[tilespmem:$0x1B700] =	vst v63  }
0x143: {  	s24 =	rddreg [dreg:$0xd];
	s23 =	simm.s32 $0x0  }
0x144: {  	[tilespmem:s23], [sflag:$0x1] =	stream.strided.gather [hbm4b:s24+s11], $0x18700, s12, s11, $0x38;
	[tilespmem:$0x1B700] =	vst v63  }
0x145: {  	s24 =	rddreg [dreg:$0x15]  }
0x146: {  	[tilespmem:s13], [sflag:$0x4] =	stream.strided.gather [hbm4b:s24+s11], $0x1000, s12, s11, $0x38;
	[tilespmem:$0x1B700] =	vst v63  }
0x147: {  	_ =	swait.ge [sflag:s14], $0x1000  }
0x148: {  	[sflag:s14] =	ssyncset.done $0x0  }
0x149: {  	[sflag:s14] =	ssyncadd.s32 $0xFFFFF000  }
0x14a: {  	_ =	swait.ge [sflag:s19], $0x1000  }
0x14b: {  	[sflag:s19] =	ssyncset.done $0x0  }
0x14c: {  	[sflag:s19] =	ssyncadd.s32 $0xFFFFF000  }
0x14d: {  	_ =	swait.ge [sflag:s15], $0x18700  }
0x14e: {  	[sflag:s15] =	ssyncset.done $0x0  }
0x14f: {  	s21 =	simm.s32 $0x0;
	[sflag:s15] =	ssyncadd.s32 $0xFFFE7900  }
0x150: {  	v0 =	vld [tilespmem:s21+$0x18700];
	_ =	sdelay $0x7  }
0x151: {  	s23 =	simm.s32 $0x10;
	s24 =	simm.s32 $0x80;
	v0 =	vld.idx.msk [tilespmem:v0+s28+$0x0], $0xffff  }
.LBB2_24:
0x152: {  	p1 =	sne.s32 s24, $0x3FC0;
	v1 =	vld [tilespmem:s23+$0x18700];
	_ =	sdelay $0x3  }
.Ltmp11:
0x153: {  	(pc) =	sbr.rel @p1 .LBB2_24-.Ltmp11, $2  }
0x154: {  	[tilespmem:s21+$0x1A700] =	vst v0;
	s21 =	smov.u32 s23;
	_ =	sdelay $0x2  }
0x155: {  	s23 =	sshra.s32 s24, $0x2;
	s24 =	sadd.s32 $0x40, s24;
	v0 =	vld.idx.msk [tilespmem:v1+s28+$0x0], $0xffff  }
0x156: {  	v1 =	vld [tilespmem:s23+$0x18700];
	_ =	sdelay $0x6  }
0x157: {  	[tilespmem:s21+$0x1A700] =	vst v0  }
0x158: {  	v0 =	vld.idx.msk [tilespmem:v1+s28+$0x0], $0xffff;
	_ =	sdelay $0x4  }
0x159: {  	[tilespmem:s23+$0x1A700] =	vst v0  }
0x15a: {  	[hbm4b:s5+s11] =	stream.strided.scatter [tilespmem:s17], [sflag:$0x3], $0x1000, s12, s11, $0x38;
	[tilespmem:$0x1B700] =	vst v63  }
0x15b: {  	s24 =	rddreg [dreg:$0xe];
	s23 =	simm.s32 $0x0  }
0x15c: {  	[tilespmem:s23], [sflag:$0x1] =	stream.strided.gather [hbm4b:s24+s11], $0x18700, s12, s11, $0x38;
	[tilespmem:$0x1B700] =	vst v63  }
0x15d: {  	s24 =	rddreg [dreg:$0x16]  }
0x15e: {  	[tilespmem:s13], [sflag:$0x4] =	stream.strided.gather [hbm4b:s24+s11], $0x1000, s12, s11, $0x38;
	[tilespmem:$0x1B700] =	vst v63  }
0x15f: {  	_ =	swait.ge [sflag:s14], $0x1000  }
0x160: {  	[sflag:s14] =	ssyncset.done $0x0  }
0x161: {  	[sflag:s14] =	ssyncadd.s32 $0xFFFFF000  }
0x162: {  	_ =	swait.ge [sflag:s18], $0x1000  }
0x163: {  	[sflag:s18] =	ssyncset.done $0x0  }
0x164: {  	[sflag:s18] =	ssyncadd.s32 $0xFFFFF000  }
0x165: {  	_ =	swait.ge [sflag:s15], $0x18700  }
0x166: {  	[sflag:s15] =	ssyncset.done $0x0  }
0x167: {  	s21 =	simm.s32 $0x0;
	[sflag:s15] =	ssyncadd.s32 $0xFFFE7900  }
0x168: {  	v0 =	vld [tilespmem:s21+$0x18700];
	_ =	sdelay $0x7  }
0x169: {  	s23 =	simm.s32 $0x10;
	s24 =	simm.s32 $0x80;
	v0 =	vld.idx.msk [tilespmem:v0+s28+$0x0], $0xffff  }
.LBB2_26:
0x16a: {  	p1 =	sne.s32 s24, $0x3FC0;
	v1 =	vld [tilespmem:s23+$0x18700];
	_ =	sdelay $0x3  }
.Ltmp12:
0x16b: {  	(pc) =	sbr.rel @p1 .LBB2_26-.Ltmp12, $2  }
0x16c: {  	[tilespmem:s21+$0x19700] =	vst v0;
	s21 =	smov.u32 s23;
	_ =	sdelay $0x2  }
0x16d: {  	s23 =	sshra.s32 s24, $0x2;
	s24 =	sadd.s32 $0x40, s24;
	v0 =	vld.idx.msk [tilespmem:v1+s28+$0x0], $0xffff  }
0x16e: {  	v1 =	vld [tilespmem:s23+$0x18700];
	_ =	sdelay $0x6  }
0x16f: {  	[tilespmem:s21+$0x19700] =	vst v0  }
0x170: {  	v0 =	vld.idx.msk [tilespmem:v1+s28+$0x0], $0xffff;
	_ =	sdelay $0x4  }
0x171: {  	[tilespmem:s23+$0x19700] =	vst v0  }
0x172: {  	[hbm4b:s6+s11] =	stream.strided.scatter [tilespmem:s16], [sflag:$0x2], $0x1000, s12, s11, $0x38;
	[tilespmem:$0x1B700] =	vst v63  }
0x173: {  	s24 =	rddreg [dreg:$0xf];
	s23 =	simm.s32 $0x0  }
0x174: {  	[tilespmem:s23], [sflag:$0x1] =	stream.strided.gather [hbm4b:s24+s11], $0x18700, s12, s11, $0x38;
	[tilespmem:$0x1B700] =	vst v63  }
0x175: {  	s24 =	rddreg [dreg:$0x17]  }
0x176: {  	[tilespmem:s13], [sflag:$0x4] =	stream.strided.gather [hbm4b:s24+s11], $0x1000, s12, s11, $0x38;
	[tilespmem:$0x1B700] =	vst v63  }
0x177: {  	_ =	swait.ge [sflag:s14], $0x1000  }
0x178: {  	[sflag:s14] =	ssyncset.done $0x0  }
0x179: {  	[sflag:s14] =	ssyncadd.s32 $0xFFFFF000  }
0x17a: {  	_ =	swait.ge [sflag:s19], $0x1000  }
0x17b: {  	[sflag:s19] =	ssyncset.done $0x0  }
0x17c: {  	[sflag:s19] =	ssyncadd.s32 $0xFFFFF000  }
0x17d: {  	_ =	swait.ge [sflag:s15], $0x18700  }
0x17e: {  	[sflag:s15] =	ssyncset.done $0x0  }
0x17f: {  	s21 =	simm.s32 $0x0;
	[sflag:s15] =	ssyncadd.s32 $0xFFFE7900  }
0x180: {  	v0 =	vld [tilespmem:s21+$0x18700];
	_ =	sdelay $0x7  }
0x181: {  	s23 =	simm.s32 $0x10;
	s24 =	simm.s32 $0x80;
	v0 =	vld.idx.msk [tilespmem:v0+s28+$0x0], $0xffff  }
.LBB2_28:
0x182: {  	p1 =	sne.s32 s24, $0x3FC0;
	v1 =	vld [tilespmem:s23+$0x18700];
	_ =	sdelay $0x3  }
.Ltmp13:
0x183: {  	(pc) =	sbr.rel @p1 .LBB2_28-.Ltmp13, $2  }
0x184: {  	[tilespmem:s21+$0x1A700] =	vst v0;
	s21 =	smov.u32 s23;
	_ =	sdelay $0x2  }
0x185: {  	s23 =	sshra.s32 s24, $0x2;
	s24 =	sadd.s32 $0x40, s24;
	v0 =	vld.idx.msk [tilespmem:v1+s28+$0x0], $0xffff  }
0x186: {  	v1 =	vld [tilespmem:s23+$0x18700];
	_ =	sdelay $0x6  }
0x187: {  	[tilespmem:s21+$0x1A700] =	vst v0  }
0x188: {  	v0 =	vld.idx.msk [tilespmem:v1+s28+$0x0], $0xffff;
	_ =	sdelay $0x4  }
0x189: {  	[tilespmem:s23+$0x1A700] =	vst v0  }
0x18a: {  	[hbm4b:s7+s11] =	stream.strided.scatter [tilespmem:s17], [sflag:$0x3], $0x1000, s12, s11, $0x38;
	[tilespmem:$0x1B700] =	vst v63  }
0x18b: {  	s24 =	rddreg [dreg:$0x10];
	s23 =	simm.s32 $0x0  }
0x18c: {  	[tilespmem:s23], [sflag:$0x1] =	stream.strided.gather [hbm4b:s24+s11], $0x18700, s12, s11, $0x38;
	[tilespmem:$0x1B700] =	vst v63  }
0x18d: {  	_ = 	snop  }
0x18e: {  	[tilespmem:s13], [sflag:$0x4] =	stream.strided.gather [hbm4b:s10+s11], $0x1000, s12, s11, $0x38;
	[tilespmem:$0x1B700] =	vst v63  }
0x18f: {  	_ =	swait.ge [sflag:s14], $0x1000  }
0x190: {  	[sflag:s14] =	ssyncset.done $0x0  }
0x191: {  	[sflag:s14] =	ssyncadd.s32 $0xFFFFF000  }
0x192: {  	_ =	swait.ge [sflag:s18], $0x1000  }
0x193: {  	[sflag:s18] =	ssyncset.done $0x0  }
0x194: {  	[sflag:s18] =	ssyncadd.s32 $0xFFFFF000  }
0x195: {  	_ =	swait.ge [sflag:s15], $0x18700  }
0x196: {  	[sflag:s15] =	ssyncset.done $0x0  }
0x197: {  	s21 =	simm.s32 $0x0;
	[sflag:s15] =	ssyncadd.s32 $0xFFFE7900  }
0x198: {  	v0 =	vld [tilespmem:s21+$0x18700];
	_ =	sdelay $0x7  }
0x199: {  	s23 =	simm.s32 $0x10;
	s24 =	simm.s32 $0x80;
	v0 =	vld.idx.msk [tilespmem:v0+s28+$0x0], $0xffff  }
.LBB2_30:
0x19a: {  	p1 =	sne.s32 s24, $0x3FC0;
	v1 =	vld [tilespmem:s23+$0x18700];
	_ =	sdelay $0x3  }
.Ltmp14:
0x19b: {  	(pc) =	sbr.rel @p1 .LBB2_30-.Ltmp14, $2  }
0x19c: {  	[tilespmem:s21+$0x19700] =	vst v0;
	s21 =	smov.u32 s23;
	_ =	sdelay $0x2  }
0x19d: {  	s23 =	sshra.s32 s24, $0x2;
	s24 =	sadd.s32 $0x40, s24;
	v0 =	vld.idx.msk [tilespmem:v1+s28+$0x0], $0xffff  }
0x19e: {  	v1 =	vld [tilespmem:s23+$0x18700];
	_ =	sdelay $0x6  }
0x19f: {  	[tilespmem:s21+$0x19700] =	vst v0  }
0x1a0: {  	v0 =	vld.idx.msk [tilespmem:v1+s28+$0x0], $0xffff;
	_ =	sdelay $0x4  }
0x1a1: {  	s20 =	sadd.s32 $0x1, s20;
	[tilespmem:s23+$0x19700] =	vst v0  }
0x1a2: {  	[hbm4b:s8+s11] =	stream.strided.scatter [tilespmem:s16], [sflag:$0x2], $0x1000, s12, s11, $0x38;
	[tilespmem:$0x1B700] =	vst v63  }
0x1a3: {  	p1 =	sne.s32 s20, s9;
	_ =	swait.ge [sflag:s18], $0x1000  }
.Ltmp15:
0x1a4: {  	[sflag:s18] =	ssyncset.done $0x0;
	(pc) =	sbr.rel @p1 .LBB2_1-.Ltmp15, $4  }
0x1a5: {  	[sflag:s18] =	ssyncadd.s32 $0xFFFFF000  }
0x1a6: {  	_ =	swait.ge [sflag:s19], $0x1000  }
0x1a7: {  	[sflag:s19] =	ssyncset.done $0x0  }
0x1a8: {  	[sflag:s19] =	ssyncadd.s32 $0xFFFFF000  }
0x1a9: {  	_ =	sfence.sel $0x180000  }
0x1aa: {  	[bflag:$0x0] =	sbarrier.arrive $0xFFFF  }
0x1ab: {  	_ =	strace $0x90000047  }
0x1ac: {  	s0 =	stileid.u32;
	[bflag:$0x2] =	sbarrier.arrive $0xFFFF  }
0x1ad: {  	p0 =	sne.s32 s0, $0x0;
	s0 =	rddreg [dreg:$0x3]  }
0x1ae: {  	s0 =	sadd.s32 @!p0 $0x100000, s0  }
0x1af: {  	[sflag:s0] =	ssyncadd.tile.s32 @!p0 $0x1;
	_ =	shalt  }
.Lfunc_end2:
_tile_overlayer_lowered:
.L_overlay_start_2:
0x1b0: {  	(tag) =	ssettag $0x2  }
0x1b1: {  	s0 =	rddreg [dreg:$0x0];
	s2 =	stileid.u32  }
0x1b2: {  	s1 =	rddreg [dreg:$0x1];
	p0 =	sne.s32 s2, $0x0  }
0x1b3: {  	s3 =	rddreg [dreg:$0x2];
	[bflag:$0x3] =	sbarrier.arrive $0xFFFF;
	s2 =	simm.s32 @!p0 $0x1C04  }
0x1b4: {  	[timem:s3], [sflag:s2] =	dma.local @!p0 [hbm:s0], s1  }
0x1b5: {  	s0 =	simm.s32 @!p0 $0x4  }
0x1b6: {  	_ =	swait.ge @!p0 [sflag:s0], s1  }
0x1b7: {  	s1 =	ssub.s32 @!p0 $0x0, s1;
	[sflag:s0] =	ssyncset.done @!p0 $0x0  }
0x1b8: {  	[sflag:s0] =	ssyncadd.s32 @!p0 s1  }
0x1b9: {  	[bflag:$0x3] =	sbarrier.arrive $0xFFFF  }
0x1ba: {  	_ =	shalt  }

</sc_bundles>
